<compile_context>
chip_gen: v7x
topology: tpu7x:2x2x1
jax: 0.10.2.dev20260603
libtpu: 0.0.44.dev20260713+nightly
codegen_flags: <defaults>
</compile_context>

<pallas_src>
import functools

import jax
import jax.numpy as jnp
from jax import lax
from jax.experimental import pallas as pl
from jax.experimental.pallas import tpu as pltpu
from jax.experimental.pallas import tpu_sc as plsc

B = 4096
K = 20
D = 128
DE = 16
DT = 128
H = 2
DH = 64
B3 = 3 * B
NK = B3 * K
NE = 1600000

NC = 2
NS = 16
NW = NC * NS

QPW = B3 // NW
NPW = NK // NW
CH = 128
CPS = QPW // CH
NCH = K * CPS

NB = 256
GRID = B3 // NB

_MESH = plsc.VectorSubcoreMesh(core_axis_name="c", subcore_axis_name="s",
                               num_cores=NC, num_subcores=NS)
_SC_PARAMS = pltpu.CompilerParams(use_tc_tiling_on_sc=False)


def _stage_indices(idx_hbm, idx_v, base):
  def stage(j, carry):
    src = pl.multiple_of(j * B3 + base, 8)
    dst = pl.multiple_of(j * QPW, 8)
    pltpu.sync_copy(idx_hbm.at[pl.ds(src, QPW)], idx_v.at[pl.ds(dst, QPW)])
    return carry

  lax.fori_loop(0, K, stage, 0)


def _slab_pipeline(tab, idx_v, out3d, bufs, sems, base):
  def dst(c):
    slab = c // CPS
    row = pl.multiple_of(base + (c % CPS) * CH, 8)
    return out3d.at[slab, pl.ds(row, CH)]

  pltpu.async_copy(tab.at[idx_v.at[pl.ds(0, CH)]], bufs[0], sems[0])
  pltpu.async_copy(tab.at[idx_v.at[pl.ds(CH, CH)]], bufs[1], sems[1])

  def body(i, carry):
    for t in range(2):
      c = 2 * i + t
      buf, sem = bufs[t], sems[t]
      pltpu.make_async_copy(tab.at[pl.ds(0, CH)], buf, sem).wait()
      pltpu.sync_copy(buf, dst(c))

      @pl.when(c + 2 < NCH)
      def _():
        off2 = pl.multiple_of((c + 2) * CH, 8)
        pltpu.async_copy(tab.at[idx_v.at[pl.ds(off2, CH)]], buf, sem)
    return carry

  lax.fori_loop(0, NCH // 2, body, 0)


def _sc_gather_nodes(node_features, idx_q, idx_n):

  @functools.partial(
      pl.kernel,
      out_type=[
          jax.ShapeDtypeStruct((B3, D), jnp.float32),
          jax.ShapeDtypeStruct((K, B3, D), jnp.float32),
      ],
      mesh=_MESH,
      compiler_params=_SC_PARAMS,
      scratch_types=[
          pltpu.VMEM((QPW,), jnp.int32),
          pltpu.VMEM((NPW,), jnp.int32),
          pltpu.VMEM((CH, D), jnp.float32),
          pltpu.VMEM((CH, D), jnp.float32),
          pltpu.SemaphoreType.DMA,
          pltpu.SemaphoreType.DMA,
      ],
  )
  def k(ntab, idxq, idxn, outq, outn, idxq_v, idxn_v, b0, b1, s0, s1):
    wid = lax.axis_index("s") * NC + lax.axis_index("c")
    base = pl.multiple_of(wid * QPW, 8)

    pltpu.sync_copy(idxq.at[pl.ds(base, QPW)], idxq_v)
    _stage_indices(idxn, idxn_v, base)

    for c in range(CPS):
      pltpu.async_copy(ntab.at[idxq_v.at[pl.ds(c * CH, CH)]], b0, s0).wait()
      pltpu.sync_copy(b0, outq.at[pl.ds(base + c * CH, CH)])

    _slab_pipeline(ntab, idxn_v, outn, (b0, b1), (s0, s1), base)

  return k(node_features, idx_q, idx_n)


def _sc_gather_edges(edge_features, idx_e):

  @functools.partial(
      pl.kernel,
      out_type=jax.ShapeDtypeStruct((K, B3, DE), jnp.float32),
      mesh=_MESH,
      compiler_params=_SC_PARAMS,
      scratch_types=[
          pltpu.VMEM((NPW,), jnp.int32),
          pltpu.VMEM((CH, DE), jnp.float32),
          pltpu.VMEM((CH, DE), jnp.float32),
          pltpu.SemaphoreType.DMA,
          pltpu.SemaphoreType.DMA,
      ],
  )
  def k(etab, idxe, oute, idxe_v, b0, b1, s0, s1):
    wid = lax.axis_index("s") * NC + lax.axis_index("c")
    base = pl.multiple_of(wid * QPW, 8)
    _stage_indices(idxe, idxe_v, base)
    _slab_pipeline(etab, idxe_v, oute, (b0, b1), (s0, s1), base)

  return k(edge_features, idx_e)


def _fast_cos(x):
  n = jnp.round(x * 0.15915494309189535)
  r = x - n * 6.28125 - n * 1.9353071795864769e-03
  r2 = r * r
  p = jnp.float32(1.736913401585966e-09)
  for c in (-2.711337329987122e-07, 2.47734242079983e-05,
            -0.0013887970411328634, 0.041666524363789405,
            -0.4999999177196379, 0.9999999922771011):
    p = p * r2 + jnp.float32(c)
  return p


def _tc_body(nf_ref, ngh_ref, eg_ref, dtc_ref,
             wq0_ref, wq1_ref, wk0_ref, wke_ref, wkt_ref,
             wv0_ref, wve_ref, wvt_ref,
             w1a_ref, w1b_ref, b1_ref, w2_ref, b2_ref,
             tw_ref, tb_ref, out_ref):
  f32 = jnp.float32
  nf = nf_ref[...]
  ngh = ngh_ref[...].reshape(K * NB, D)
  eg = eg_ref[...].reshape(K * NB, DE)
  dtc = dtc_ref[...].reshape(K * NB, 1)
  tw = tw_ref[...]
  tb = tb_ref[...]

  ktime = _fast_cos(dtc * tw + tb)
  qtime = _fast_cos(tb)

  dot = functools.partial(jnp.dot, preferred_element_type=f32)
  q = dot(nf, wq0_ref[...]) + dot(qtime, wq1_ref[...])
  kk = (dot(ngh, wk0_ref[...]) + dot(eg, wke_ref[...])
        + dot(ktime, wkt_ref[...]))
  vv = (dot(ngh, wv0_ref[...]) + dot(eg, wve_ref[...])
        + dot(ktime, wvt_ref[...]))

  scale = 1.0 / (DH ** 0.5)
  lane_h = lax.broadcasted_iota(jnp.int32, (D, H), 0) // DH
  col_h = lax.broadcasted_iota(jnp.int32, (D, H), 1)
  eh = jnp.where(lane_h == col_h, scale, 0.0).astype(f32)
  row_h = lax.broadcasted_iota(jnp.int32, (H, D), 0)
  colD_h = lax.broadcasted_iota(jnp.int32, (H, D), 1) // DH
  fh = jnp.where(row_h == colD_h, 1.0, 0.0).astype(f32)

  qt = jnp.concatenate([q] * K, axis=0)
  s2 = dot(kk * qt, eh)
  s3 = s2.reshape(K, NB, H)
  m = jnp.max(s3, axis=0, keepdims=True)
  e = jnp.exp(s3 - m)
  attn = e / jnp.sum(e, axis=0, keepdims=True)

  att_out = jnp.zeros((NB, H * DH), dtype=f32)
  for k in range(K):
    bc = dot(attn[k], fh)
    att_out = att_out + bc * vv[k * NB:(k + 1) * NB, :]

  hidden = jnp.maximum(
      dot(att_out, w1a_ref[...]) + dot(nf, w1b_ref[...]) + b1_ref[...], 0.0)
  out_ref[...] = dot(hidden, w2_ref[...]) + b2_ref[...]


def _tc_dense(node_feat, neigh, eg, dtcol,
              Wq0, Wq1, Wk0, Wke, Wkt, Wv0, Wve, Wvt,
              W1a, W1b, b1, W2, b2, tw, tb):
  def full(shape):
    return pl.BlockSpec(shape, lambda i: (0,) * len(shape))

  return pl.pallas_call(
      _tc_body,
      grid=(GRID,),
      in_specs=[
          pl.BlockSpec((NB, D), lambda i: (i, 0)),
          pl.BlockSpec((K, NB, D), lambda i: (0, i, 0)),
          pl.BlockSpec((K, NB, DE), lambda i: (0, i, 0)),
          pl.BlockSpec((K, NB, 1), lambda i: (0, i, 0)),
          full((D, H * DH)), full((DT, H * DH)),
          full((D, H * DH)), full((DE, H * DH)), full((DT, H * DH)),
          full((D, H * DH)), full((DE, H * DH)), full((DT, H * DH)),
          full((H * DH, D)), full((D, D)), full((1, D)),
          full((D, D)), full((1, D)),
          full((1, DT)), full((1, DT)),
      ],
      out_specs=pl.BlockSpec((NB, D), lambda i: (i, 0)),
      out_shape=jax.ShapeDtypeStruct((B3, D), jnp.float32),
  )(node_feat, neigh, eg, dtcol,
    Wq0, Wq1, Wk0, Wke, Wkt, Wv0, Wve, Wvt,
    W1a, W1b, b1, W2, b2, tw, tb)


def kernel(source_nodes, destination_nodes, negative_nodes, edge_times,
           edge_idxs, neighbor_idx, neighbor_edge_idx, neighbor_times,
           node_features, edge_features, time_w, time_b,
           Wq, Wk, Wv, W1, b1, W2, b2):
  del edge_idxs
  nodes = jnp.concatenate(
      [source_nodes, destination_nodes, negative_nodes]).astype(jnp.int32)
  times3 = jnp.concatenate([edge_times, edge_times, edge_times])

  idx_n = neighbor_idx.T.reshape(-1).astype(jnp.int32)
  idx_e = neighbor_edge_idx.T.reshape(-1).astype(jnp.int32)
  dt_t = times3[None, :] - neighbor_times.T
  dtcol = dt_t.reshape(K, B3, 1)

  eg = _sc_gather_edges(edge_features, idx_e)
  q_feat, neigh = _sc_gather_nodes(node_features, nodes, idx_n)

  h = _tc_dense(
      q_feat, neigh, eg, dtcol,
      Wq[:D], Wq[D:],
      Wk[:D], Wk[D:D + DE], Wk[D + DE:],
      Wv[:D], Wv[D:D + DE], Wv[D + DE:],
      W1[:H * DH], W1[H * DH:], b1.reshape(1, D),
      W2, b2.reshape(1, D),
      time_w.reshape(1, DT), time_b.reshape(1, DT))

  return h[:B], h[B:2 * B], h[2 * B:]

# --- scband reference (transcript-rebuilt; emitter-appended) ---
"""Pipeline reference for scband-dy-gprompt-pretrain-88562225643830 (READ-ONLY COPY).

The authoritative reference and input builder live on the scoring server;
editing this copy changes nothing except your own understanding.
"""

import jax, jax.numpy as jnp
import numpy as np

N_NODES = 100000
N_EDGES = 1600000
B = 4096
K = 20
D = 128
DE = 16
DT = 128
H = 2
DH = 64


def time_encode(t, w, b):
    # TGN-style harmonic time encoding: cos(t * w + b)
    return jnp.cos(t[..., None] * w + b)


def setup_inputs(seed: int = 0) -> dict:
    key = jax.random.key(seed)
    ks = jax.random.split(key, 20)
    source_nodes = jax.random.randint(ks[0], (B,), 0, N_NODES)
    destination_nodes = jax.random.randint(ks[1], (B,), 0, N_NODES)
    negative_nodes = jax.random.randint(ks[2], (B,), 0, N_NODES)
    edge_times = jax.random.uniform(ks[3], (B,), dtype=jnp.float32) * 1000.0
    edge_idxs = jax.random.randint(ks[4], (B,), 0, N_EDGES)
    # precomputed temporal neighborhood (stands in for neighbor_finder.get_temporal_neighbor)
    neighbor_idx = jax.random.randint(ks[5], (3 * B, K), 0, N_NODES)
    neighbor_edge_idx = jax.random.randint(ks[6], (3 * B, K), 0, N_EDGES)
    neighbor_times = jax.random.uniform(ks[7], (3 * B, K), dtype=jnp.float32) * 1000.0
    # learned parameters / feature tables
    node_features = jax.random.normal(ks[8], (N_NODES, D), dtype=jnp.float32) * 0.1
    edge_features = jax.random.normal(ks[9], (N_EDGES, DE), dtype=jnp.float32) * 0.1
    time_w = jax.random.normal(ks[10], (DT,), dtype=jnp.float32)
    time_b = jax.random.normal(ks[11], (DT,), dtype=jnp.float32)
    Wq = jax.random.normal(ks[12], (D + DT, H * DH), dtype=jnp.float32) * 0.05
    Wk = jax.random.normal(ks[13], (D + DE + DT, H * DH), dtype=jnp.float32) * 0.05
    Wv = jax.random.normal(ks[14], (D + DE + DT, H * DH), dtype=jnp.float32) * 0.05
    W1 = jax.random.normal(ks[15], (H * DH + D, D), dtype=jnp.float32) * 0.05
    b1 = jnp.zeros((D,), dtype=jnp.float32)
    W2 = jax.random.normal(ks[16], (D, D), dtype=jnp.float32) * 0.05
    b2 = jnp.zeros((D,), dtype=jnp.float32)
    return {
        "source_nodes": source_nodes,
        "destination_nodes": destination_nodes,
        "negative_nodes": negative_nodes,
        "edge_times": edge_times,
        "edge_idxs": edge_idxs,
        "neighbor_idx": neighbor_idx,
        "neighbor_edge_idx": neighbor_edge_idx,
        "neighbor_times": neighbor_times,
        "node_features": node_features,
        "edge_features": edge_features,
        "time_w": time_w,
        "time_b": time_b,
        "Wq": Wq,
        "Wk": Wk,
        "Wv": Wv,
        "W1": W1,
        "b1": b1,
        "W2": W2,
        "b2": b2,
    }


def reference(source_nodes, destination_nodes, negative_nodes, edge_times, edge_idxs,
              neighbor_idx, neighbor_edge_idx, neighbor_times,
              node_features, edge_features, time_w, time_b,
              Wq, Wk, Wv, W1, b1, W2, b2):
    # compute_temporal_embeddings for src/dst/neg in one batch (TGN graph_attention module)
    nodes = jnp.concatenate([source_nodes, destination_nodes, negative_nodes])  # [3B]
    times = jnp.concatenate([edge_times, edge_times, edge_times])               # [3B]
    node_feat = jnp.take(node_features, nodes, axis=0)                          # gather [3B, D]
    q_time = time_encode(jnp.zeros_like(times), time_w, time_b)                 # [3B, DT]
    neigh_feat = jnp.take(node_features, neighbor_idx, axis=0)                  # gather [3B, K, D]
    e_feat = jnp.take(edge_features, neighbor_edge_idx, axis=0)                 # gather [3B, K, DE]
    dt = times[:, None] - neighbor_times                                        # [3B, K]
    k_time = time_encode(dt, time_w, time_b)                                    # [3B, K, DT]
    q = (jnp.concatenate([node_feat, q_time], axis=-1) @ Wq).reshape(-1, H, DH)
    kin = jnp.concatenate([neigh_feat, e_feat, k_time], axis=-1)
    kk = (kin @ Wk).reshape(-1, K, H, DH)
    vv = (kin @ Wv).reshape(-1, K, H, DH)
    scores = jnp.einsum('nhd,nkhd->nhk', q, kk) / np.sqrt(DH).astype(np.float32)
    attn = jax.nn.softmax(scores, axis=-1)
    out = jnp.einsum('nhk,nkhd->nhd', attn, vv).reshape(-1, H * DH)
    # MergeLayer: combine attention output with raw node features
    h = jnp.concatenate([out, node_feat], axis=-1)
    h = jax.nn.relu(h @ W1 + b1) @ W2 + b2
    src_emb = h[:B]
    dst_emb = h[B:2 * B]
    neg_emb = h[2 * B:]
    return (src_emb, dst_emb, neg_emb)

if __name__ == "__main__":
    import jax
    _d = setup_inputs()
    print(jax.jit(kernel)(*tuple(_d.values())))

</pallas_src>

<mosaic_0001>
#map = affine_map<(d0, d1) -> (0, 0)>
#map1 = affine_map<(d0, d1) -> (0)>
#map2 = affine_map<(d0, d1) -> (0, 0, 0)>
module attributes {stable_mosaic.version = 14 : i64} {
  func.func @k(%arg0: i32, %arg1: i32, %arg2: memref<1600000x16xf32, #tpu.memory_space<hbm>>, %arg3: memref<245760xi32, #tpu.memory_space<hbm>>, %arg4: memref<20x12288x16xf32, #tpu.memory_space<hbm>>, %arg5: memref<7680xi32, #tpu.memory_space<vmem>>, %arg6: memref<128x16xf32, #tpu.memory_space<vmem>>, %arg7: memref<128x16xf32, #tpu.memory_space<vmem>>, %arg8: memref<!tpu.dma_semaphore, #tpu.memory_space<semaphore_mem>>, %arg9: memref<!tpu.dma_semaphore, #tpu.memory_space<semaphore_mem>>) attributes {dimension_semantics = [#tpu.dimension_semantics<core_parallel>, #tpu.dimension_semantics<subcore_parallel>], iteration_bounds = array<i64: 2, 16>, scalar_prefetch = 0 : i64, scratch_operands = 5 : i64, tpu.core_type = #tpu.core_type<sc_vector_subcore>, window_params = [{transform_indices = #map}, {transform_indices = #map1}, {transform_indices = #map2}]} {
    %mul3A = arith.constant 2 : i32
    %mul3A_0 = arith.muli %arg1, %mul3A : i32
    %add3A = arith.addi %mul3A_0, %arg0 : i32
    %mul3A_1 = arith.constant 384 : i32
    %mul3A_2 = arith.muli %add3A, %mul3A_1 : i32
    %multiple_of3A = tpu.assume_multiple %mul3A_2, 8 : i32
    %scan3A = arith.constant 0 : i32
    %scan3A_3 = arith.constant 0 : i32
    %scan3A_4 = arith.constant 20 : i32
    %scan3A_5 = arith.addi %scan3A_3, %scan3A_4 : i32
    %scan3A_6 = arith.constant 1 : i32
    scf.for %scan3A_23 = %scan3A_3 to %scan3A_5 step %scan3A_6  : i32 {
      %mul3A_24 = arith.constant 12288 : i32
      %mul3A_25 = arith.muli %scan3A_23, %mul3A_24 : i32
      %add3A_26 = arith.addi %mul3A_25, %multiple_of3A : i32
      %multiple_of3A_27 = tpu.assume_multiple %add3A_26, 8 : i32
      %mul3A_28 = arith.constant 384 : i32
      %mul3A_29 = arith.muli %scan3A_23, %mul3A_28 : i32
      %multiple_of3A_30 = tpu.assume_multiple %mul3A_29, 8 : i32
      "tpu.region"() ({
        %run_scoped3A = tpu.sem_alloc : memref<!tpu.dma_semaphore, #tpu.memory_space<semaphore_mem>>
        %dma_start3A_31 = tpu.memref_slice %arg5[%multiple_of3A_30] : memref<7680xi32, #tpu.memory_space<vmem>> -> memref<384xi32, #tpu.memory_space<vmem>>
        %dma_start3A_32 = tpu.memref_slice %arg3[%multiple_of3A_27] : memref<245760xi32, #tpu.memory_space<hbm>> -> memref<384xi32, #tpu.memory_space<hbm>>
        %dma_start3A_33 = tpu.memref_slice %arg5[%multiple_of3A_30] : memref<7680xi32, #tpu.memory_space<vmem>> -> memref<384xi32, #tpu.memory_space<vmem>>
        %dma_start3A_34 = tpu.memref_slice %arg3[%multiple_of3A_27] : memref<245760xi32, #tpu.memory_space<hbm>> -> memref<384xi32, #tpu.memory_space<hbm>>
        tpu.enqueue_dma source(%dma_start3A_34 : memref<384xi32, #tpu.memory_space<hbm>>) target(%dma_start3A_33 : memref<384xi32, #tpu.memory_space<vmem>>) target_semaphore(%run_scoped3A : memref<!tpu.dma_semaphore, #tpu.memory_space<semaphore_mem>>)
        %dma_wait3A = tpu.memref_slice %arg5[%multiple_of3A_30] : memref<7680xi32, #tpu.memory_space<vmem>> -> memref<384xi32, #tpu.memory_space<vmem>>
        %dma_wait3A_35 = tpu.memref_slice %arg3[%multiple_of3A_27] : memref<245760xi32, #tpu.memory_space<hbm>> -> memref<384xi32, #tpu.memory_space<hbm>>
        %dma_wait3A_36 = tpu.memref_slice %arg5[%multiple_of3A_30] : memref<7680xi32, #tpu.memory_space<vmem>> -> memref<384xi32, #tpu.memory_space<vmem>>
        %dma_wait3A_37 = tpu.memref_slice %arg3[%multiple_of3A_27] : memref<245760xi32, #tpu.memory_space<hbm>> -> memref<384xi32, #tpu.memory_space<hbm>>
        tpu.wait_dma2 semaphore(%run_scoped3A : memref<!tpu.dma_semaphore, #tpu.memory_space<semaphore_mem>>) src(%dma_wait3A_37 : memref<384xi32, #tpu.memory_space<hbm>>) dst(%dma_wait3A_36 : memref<384xi32, #tpu.memory_space<vmem>>)
        tpu.yield
      }) : () -> ()
    }
    %scan3A_7 = arith.constant 20 : i32
    %dma_start3A = arith.constant 0 : i32
    %dma_start3A_8 = tpu.memref_slice %arg5[%dma_start3A] : memref<7680xi32, #tpu.memory_space<vmem>> -> memref<128xi32, #tpu.memory_space<vmem>>
    %dma_start3A_9 = arith.constant 0 : i32
    %dma_start3A_10 = arith.constant 0 : i32
    %dma_start3A_11 = tpu.memref_slice %arg2[%dma_start3A_9, %dma_start3A_10] : memref<1600000x16xf32, #tpu.memory_space<hbm>> -> memref<1600000x16xf32, #tpu.memory_space<hbm>>
    tpu.enqueue_indirect_dma source(%dma_start3A_11 : memref<1600000x16xf32, #tpu.memory_space<hbm>>) target(%arg6 : memref<128x16xf32, #tpu.memory_space<vmem>>) offsets(%dma_start3A_8 : memref<128xi32, #tpu.memory_space<vmem>>) semaphore(%arg8 : memref<!tpu.dma_semaphore, #tpu.memory_space<semaphore_mem>>)
    %dma_start3A_12 = arith.constant 128 : i32
    %dma_start3A_13 = tpu.memref_slice %arg5[%dma_start3A_12] : memref<7680xi32, #tpu.memory_space<vmem>> -> memref<128xi32, #tpu.memory_space<vmem>>
    %dma_start3A_14 = arith.constant 0 : i32
    %dma_start3A_15 = arith.constant 0 : i32
    %dma_start3A_16 = tpu.memref_slice %arg2[%dma_start3A_14, %dma_start3A_15] : memref<1600000x16xf32, #tpu.memory_space<hbm>> -> memref<1600000x16xf32, #tpu.memory_space<hbm>>
    tpu.enqueue_indirect_dma source(%dma_start3A_16 : memref<1600000x16xf32, #tpu.memory_space<hbm>>) target(%arg7 : memref<128x16xf32, #tpu.memory_space<vmem>>) offsets(%dma_start3A_13 : memref<128xi32, #tpu.memory_space<vmem>>) semaphore(%arg9 : memref<!tpu.dma_semaphore, #tpu.memory_space<semaphore_mem>>)
    %scan3A_17 = arith.constant 0 : i32
    %scan3A_18 = arith.constant 0 : i32
    %scan3A_19 = arith.constant 30 : i32
    %scan3A_20 = arith.addi %scan3A_18, %scan3A_19 : i32
    %scan3A_21 = arith.constant 1 : i32
    scf.for %scan3A_23 = %scan3A_18 to %scan3A_20 step %scan3A_21  : i32 {
      %mul3A_24 = arith.constant 2 : i32
      %mul3A_25 = arith.muli %mul3A_24, %scan3A_23 : i32
      %add3A_26 = arith.constant 0 : i32
      %add3A_27 = arith.addi %mul3A_25, %add3A_26 : i32
      %dma_wait3A = arith.constant 0 : i32
      %dma_wait3A_28 = arith.constant 0 : i32
      %dma_wait3A_29 = tpu.memref_slice %arg2[%dma_wait3A, %dma_wait3A_28] : memref<1600000x16xf32, #tpu.memory_space<hbm>> -> memref<128x16xf32, #tpu.memory_space<hbm>>
      %dma_wait3A_30 = arith.constant 0 : i32
      %dma_wait3A_31 = arith.constant 0 : i32
      %dma_wait3A_32 = tpu.memref_slice %arg2[%dma_wait3A_30, %dma_wait3A_31] : memref<1600000x16xf32, #tpu.memory_space<hbm>> -> memref<128x16xf32, #tpu.memory_space<hbm>>
      tpu.wait_dma2 semaphore(%arg8 : memref<!tpu.dma_semaphore, #tpu.memory_space<semaphore_mem>>) src(%dma_wait3A_32 : memref<128x16xf32, #tpu.memory_space<hbm>>) dst(%arg6 : memref<128x16xf32, #tpu.memory_space<vmem>>)
      %jit3A = arith.constant 3 : i32
      %div3A = arith.divsi %add3A_27, %jit3A : i32
      %sign3A = arith.constant 0 : i32
      %sign3A_33 = arith.cmpi sgt, %add3A_27, %sign3A : i32
      %sign3A_34 = arith.extui %sign3A_33 : i1 to i32
      %sign3A_35 = arith.constant 0 : i32
      %sign3A_36 = arith.cmpi slt, %add3A_27, %sign3A_35 : i32
      %sign3A_37 = arith.extui %sign3A_36 : i1 to i32
      %sign3A_38 = arith.subi %sign3A_34, %sign3A_37 : i32
      %sign3A_39 = arith.constant 0 : i32
      %sign3A_40 = arith.cmpi sgt, %jit3A, %sign3A_39 : i32
      %sign3A_41 = arith.extui %sign3A_40 : i1 to i32
      %sign3A_42 = arith.constant 0 : i32
      %sign3A_43 = arith.cmpi slt, %jit3A, %sign3A_42 : i32
      %sign3A_44 = arith.extui %sign3A_43 : i1 to i32
      %sign3A_45 = arith.subi %sign3A_41, %sign3A_44 : i32
      %ne3A = arith.cmpi ne, %sign3A_38, %sign3A_45 : i32
      %rem3A = arith.remsi %add3A_27, %jit3A : i32
      %ne3A_46 = arith.constant 0 : i32
      %ne3A_47 = arith.cmpi ne, %rem3A, %ne3A_46 : i32
      %and3A = arith.andi %ne3A, %ne3A_47 : i1
      %sub3A = arith.constant 1 : i32
      %sub3A_48 = arith.subi %div3A, %sub3A : i32
      %select_n3A = arith.select %and3A, %sub3A_48, %div3A : i32
      %jit3A_49 = arith.constant 3 : i32
      %eq3A = arith.constant 0 : i32
      %eq3A_50 = arith.cmpi eq, %jit3A_49, %eq3A : i32
      %jit3A_51 = arith.constant 1 : i32
      %select_n3A_52 = arith.select %eq3A_50, %jit3A_51, %jit3A_49 : i32
      %rem3A_53 = arith.remsi %add3A_27, %select_n3A_52 : i32
      %ne3A_54 = arith.constant 0 : i32
      %ne3A_55 = arith.cmpi ne, %rem3A_53, %ne3A_54 : i32
      %lt3A = arith.constant 0 : i32
      %lt3A_56 = arith.cmpi slt, %rem3A_53, %lt3A : i32
      %lt3A_57 = arith.constant 0 : i32
      %lt3A_58 = arith.cmpi slt, %select_n3A_52, %lt3A_57 : i32
      %ne3A_59 = arith.xori %lt3A_56, %lt3A_58 : i1
      %and3A_60 = arith.andi %ne3A_59, %ne3A_55 : i1
      %add3A_61 = arith.addi %rem3A_53, %select_n3A_52 : i32
      %select_n3A_62 = arith.select %and3A_60, %add3A_61, %rem3A_53 : i32
      %mul3A_63 = arith.constant 128 : i32
      %mul3A_64 = arith.muli %select_n3A_62, %mul3A_63 : i32
      %add3A_65 = arith.addi %multiple_of3A, %mul3A_64 : i32
      %multiple_of3A_66 = tpu.assume_multiple %add3A_65, 8 : i32
      "tpu.region"() ({
        %run_scoped3A = tpu.sem_alloc : memref<!tpu.dma_semaphore, #tpu.memory_space<semaphore_mem>>
        %dma_start3A_133 = arith.constant 0 : i32
        %dma_start3A_134 = tpu.memref_slice %arg4[%select_n3A, %multiple_of3A_66, %dma_start3A_133] : memref<20x12288x16xf32, #tpu.memory_space<hbm>> -> memref<1x128x16xf32, #tpu.memory_space<hbm>>
        %dma_start3A_135 = tpu.memref_squeeze %dma_start3A_134 : memref<1x128x16xf32, #tpu.memory_space<hbm>> -> memref<128x16xf32, #tpu.memory_space<hbm>>
        %dma_start3A_136 = arith.constant 0 : i32
        %dma_start3A_137 = tpu.memref_slice %arg4[%select_n3A, %multiple_of3A_66, %dma_start3A_136] : memref<20x12288x16xf32, #tpu.memory_space<hbm>> -> memref<1x128x16xf32, #tpu.memory_space<hbm>>
        %dma_start3A_138 = tpu.memref_squeeze %dma_start3A_137 : memref<1x128x16xf32, #tpu.memory_space<hbm>> -> memref<128x16xf32, #tpu.memory_space<hbm>>
        tpu.enqueue_dma source(%arg6 : memref<128x16xf32, #tpu.memory_space<vmem>>) target(%dma_start3A_138 : memref<128x16xf32, #tpu.memory_space<hbm>>) target_semaphore(%run_scoped3A : memref<!tpu.dma_semaphore, #tpu.memory_space<semaphore_mem>>)
        %dma_wait3A_139 = arith.constant 0 : i32
        %dma_wait3A_140 = tpu.memref_slice %arg4[%select_n3A, %multiple_of3A_66, %dma_wait3A_139] : memref<20x12288x16xf32, #tpu.memory_space<hbm>> -> memref<1x128x16xf32, #tpu.memory_space<hbm>>
        %dma_wait3A_141 = tpu.memref_squeeze %dma_wait3A_140 : memref<1x128x16xf32, #tpu.memory_space<hbm>> -> memref<128x16xf32, #tpu.memory_space<hbm>>
        %dma_wait3A_142 = arith.constant 0 : i32
        %dma_wait3A_143 = tpu.memref_slice %arg4[%select_n3A, %multiple_of3A_66, %dma_wait3A_142] : memref<20x12288x16xf32, #tpu.memory_space<hbm>> -> memref<1x128x16xf32, #tpu.memory_space<hbm>>
        %dma_wait3A_144 = tpu.memref_squeeze %dma_wait3A_143 : memref<1x128x16xf32, #tpu.memory_space<hbm>> -> memref<128x16xf32, #tpu.memory_space<hbm>>
        tpu.wait_dma2 semaphore(%run_scoped3A : memref<!tpu.dma_semaphore, #tpu.memory_space<semaphore_mem>>) src(%arg6 : memref<128x16xf32, #tpu.memory_space<vmem>>) dst(%dma_wait3A_144 : memref<128x16xf32, #tpu.memory_space<hbm>>)
        tpu.yield
      }) : () -> ()
      %add3A_67 = arith.constant 2 : i32
      %add3A_68 = arith.addi %add3A_27, %add3A_67 : i32
      %lt3A_69 = arith.constant 60 : i32
      %lt3A_70 = arith.cmpi slt, %add3A_68, %lt3A_69 : i32
      %convert_element_type3A = arith.extui %lt3A_70 : i1 to i32
      %cond3A = arith.constant 0 : i32
      %cond3A_71 = arith.cmpi ne, %convert_element_type3A, %cond3A : i32
      scf.if %cond3A_71 {
        %add3A_133 = arith.constant 2 : i32
        %add3A_134 = arith.addi %add3A_27, %add3A_133 : i32
        %mul3A_135 = arith.constant 128 : i32
        %mul3A_136 = arith.muli %add3A_134, %mul3A_135 : i32
        %multiple_of3A_137 = tpu.assume_multiple %mul3A_136, 8 : i32
        %dma_start3A_138 = tpu.memref_slice %arg5[%multiple_of3A_137] : memref<7680xi32, #tpu.memory_space<vmem>> -> memref<128xi32, #tpu.memory_space<vmem>>
        %dma_start3A_139 = arith.constant 0 : i32
        %dma_start3A_140 = arith.constant 0 : i32
        %dma_start3A_141 = tpu.memref_slice %arg2[%dma_start3A_139, %dma_start3A_140] : memref<1600000x16xf32, #tpu.memory_space<hbm>> -> memref<1600000x16xf32, #tpu.memory_space<hbm>>
        tpu.enqueue_indirect_dma source(%dma_start3A_141 : memref<1600000x16xf32, #tpu.memory_space<hbm>>) target(%arg6 : memref<128x16xf32, #tpu.memory_space<vmem>>) offsets(%dma_start3A_138 : memref<128xi32, #tpu.memory_space<vmem>>) semaphore(%arg8 : memref<!tpu.dma_semaphore, #tpu.memory_space<semaphore_mem>>)
      } else {
      }
      %mul3A_72 = arith.constant 2 : i32
      %mul3A_73 = arith.muli %mul3A_72, %scan3A_23 : i32
      %add3A_74 = arith.constant 1 : i32
      %add3A_75 = arith.addi %mul3A_73, %add3A_74 : i32
      %dma_wait3A_76 = arith.constant 0 : i32
      %dma_wait3A_77 = arith.constant 0 : i32
      %dma_wait3A_78 = tpu.memref_slice %arg2[%dma_wait3A_76, %dma_wait3A_77] : memref<1600000x16xf32, #tpu.memory_space<hbm>> -> memref<128x16xf32, #tpu.memory_space<hbm>>
      %dma_wait3A_79 = arith.constant 0 : i32
      %dma_wait3A_80 = arith.constant 0 : i32
      %dma_wait3A_81 = tpu.memref_slice %arg2[%dma_wait3A_79, %dma_wait3A_80] : memref<1600000x16xf32, #tpu.memory_space<hbm>> -> memref<128x16xf32, #tpu.memory_space<hbm>>
      tpu.wait_dma2 semaphore(%arg9 : memref<!tpu.dma_semaphore, #tpu.memory_space<semaphore_mem>>) src(%dma_wait3A_81 : memref<128x16xf32, #tpu.memory_space<hbm>>) dst(%arg7 : memref<128x16xf32, #tpu.memory_space<vmem>>)
      %jit3A_82 = arith.constant 3 : i32
      %div3A_83 = arith.divsi %add3A_75, %jit3A_82 : i32
      %sign3A_84 = arith.constant 0 : i32
      %sign3A_85 = arith.cmpi sgt, %add3A_75, %sign3A_84 : i32
      %sign3A_86 = arith.extui %sign3A_85 : i1 to i32
      %sign3A_87 = arith.constant 0 : i32
      %sign3A_88 = arith.cmpi slt, %add3A_75, %sign3A_87 : i32
      %sign3A_89 = arith.extui %sign3A_88 : i1 to i32
      %sign3A_90 = arith.subi %sign3A_86, %sign3A_89 : i32
      %sign3A_91 = arith.constant 0 : i32
      %sign3A_92 = arith.cmpi sgt, %jit3A_82, %sign3A_91 : i32
      %sign3A_93 = arith.extui %sign3A_92 : i1 to i32
      %sign3A_94 = arith.constant 0 : i32
      %sign3A_95 = arith.cmpi slt, %jit3A_82, %sign3A_94 : i32
      %sign3A_96 = arith.extui %sign3A_95 : i1 to i32
      %sign3A_97 = arith.subi %sign3A_93, %sign3A_96 : i32
      %ne3A_98 = arith.cmpi ne, %sign3A_90, %sign3A_97 : i32
      %rem3A_99 = arith.remsi %add3A_75, %jit3A_82 : i32
      %ne3A_100 = arith.constant 0 : i32
      %ne3A_101 = arith.cmpi ne, %rem3A_99, %ne3A_100 : i32
      %and3A_102 = arith.andi %ne3A_98, %ne3A_101 : i1
      %sub3A_103 = arith.constant 1 : i32
      %sub3A_104 = arith.subi %div3A_83, %sub3A_103 : i32
      %select_n3A_105 = arith.select %and3A_102, %sub3A_104, %div3A_83 : i32
      %jit3A_106 = arith.constant 3 : i32
      %eq3A_107 = arith.constant 0 : i32
      %eq3A_108 = arith.cmpi eq, %jit3A_106, %eq3A_107 : i32
      %jit3A_109 = arith.constant 1 : i32
      %select_n3A_110 = arith.select %eq3A_108, %jit3A_109, %jit3A_106 : i32
      %rem3A_111 = arith.remsi %add3A_75, %select_n3A_110 : i32
      %ne3A_112 = arith.constant 0 : i32
      %ne3A_113 = arith.cmpi ne, %rem3A_111, %ne3A_112 : i32
      %lt3A_114 = arith.constant 0 : i32
      %lt3A_115 = arith.cmpi slt, %rem3A_111, %lt3A_114 : i32
      %lt3A_116 = arith.constant 0 : i32
      %lt3A_117 = arith.cmpi slt, %select_n3A_110, %lt3A_116 : i32
      %ne3A_118 = arith.xori %lt3A_115, %lt3A_117 : i1
      %and3A_119 = arith.andi %ne3A_118, %ne3A_113 : i1
      %add3A_120 = arith.addi %rem3A_111, %select_n3A_110 : i32
      %select_n3A_121 = arith.select %and3A_119, %add3A_120, %rem3A_111 : i32
      %mul3A_122 = arith.constant 128 : i32
      %mul3A_123 = arith.muli %select_n3A_121, %mul3A_122 : i32
      %add3A_124 = arith.addi %multiple_of3A, %mul3A_123 : i32
      %multiple_of3A_125 = tpu.assume_multiple %add3A_124, 8 : i32
      "tpu.region"() ({
        %run_scoped3A = tpu.sem_alloc : memref<!tpu.dma_semaphore, #tpu.memory_space<semaphore_mem>>
        %dma_start3A_133 = arith.constant 0 : i32
        %dma_start3A_134 = tpu.memref_slice %arg4[%select_n3A_105, %multiple_of3A_125, %dma_start3A_133] : memref<20x12288x16xf32, #tpu.memory_space<hbm>> -> memref<1x128x16xf32, #tpu.memory_space<hbm>>
        %dma_start3A_135 = tpu.memref_squeeze %dma_start3A_134 : memref<1x128x16xf32, #tpu.memory_space<hbm>> -> memref<128x16xf32, #tpu.memory_space<hbm>>
        %dma_start3A_136 = arith.constant 0 : i32
        %dma_start3A_137 = tpu.memref_slice %arg4[%select_n3A_105, %multiple_of3A_125, %dma_start3A_136] : memref<20x12288x16xf32, #tpu.memory_space<hbm>> -> memref<1x128x16xf32, #tpu.memory_space<hbm>>
        %dma_start3A_138 = tpu.memref_squeeze %dma_start3A_137 : memref<1x128x16xf32, #tpu.memory_space<hbm>> -> memref<128x16xf32, #tpu.memory_space<hbm>>
        tpu.enqueue_dma source(%arg7 : memref<128x16xf32, #tpu.memory_space<vmem>>) target(%dma_start3A_138 : memref<128x16xf32, #tpu.memory_space<hbm>>) target_semaphore(%run_scoped3A : memref<!tpu.dma_semaphore, #tpu.memory_space<semaphore_mem>>)
        %dma_wait3A_139 = arith.constant 0 : i32
        %dma_wait3A_140 = tpu.memref_slice %arg4[%select_n3A_105, %multiple_of3A_125, %dma_wait3A_139] : memref<20x12288x16xf32, #tpu.memory_space<hbm>> -> memref<1x128x16xf32, #tpu.memory_space<hbm>>
        %dma_wait3A_141 = tpu.memref_squeeze %dma_wait3A_140 : memref<1x128x16xf32, #tpu.memory_space<hbm>> -> memref<128x16xf32, #tpu.memory_space<hbm>>
        %dma_wait3A_142 = arith.constant 0 : i32
        %dma_wait3A_143 = tpu.memref_slice %arg4[%select_n3A_105, %multiple_of3A_125, %dma_wait3A_142] : memref<20x12288x16xf32, #tpu.memory_space<hbm>> -> memref<1x128x16xf32, #tpu.memory_space<hbm>>
        %dma_wait3A_144 = tpu.memref_squeeze %dma_wait3A_143 : memref<1x128x16xf32, #tpu.memory_space<hbm>> -> memref<128x16xf32, #tpu.memory_space<hbm>>
        tpu.wait_dma2 semaphore(%run_scoped3A : memref<!tpu.dma_semaphore, #tpu.memory_space<semaphore_mem>>) src(%arg7 : memref<128x16xf32, #tpu.memory_space<vmem>>) dst(%dma_wait3A_144 : memref<128x16xf32, #tpu.memory_space<hbm>>)
        tpu.yield
      }) : () -> ()
      %add3A_126 = arith.constant 2 : i32
      %add3A_127 = arith.addi %add3A_75, %add3A_126 : i32
      %lt3A_128 = arith.constant 60 : i32
      %lt3A_129 = arith.cmpi slt, %add3A_127, %lt3A_128 : i32
      %convert_element_type3A_130 = arith.extui %lt3A_129 : i1 to i32
      %cond3A_131 = arith.constant 0 : i32
      %cond3A_132 = arith.cmpi ne, %convert_element_type3A_130, %cond3A_131 : i32
      scf.if %cond3A_132 {
        %add3A_133 = arith.constant 2 : i32
        %add3A_134 = arith.addi %add3A_75, %add3A_133 : i32
        %mul3A_135 = arith.constant 128 : i32
        %mul3A_136 = arith.muli %add3A_134, %mul3A_135 : i32
        %multiple_of3A_137 = tpu.assume_multiple %mul3A_136, 8 : i32
        %dma_start3A_138 = tpu.memref_slice %arg5[%multiple_of3A_137] : memref<7680xi32, #tpu.memory_space<vmem>> -> memref<128xi32, #tpu.memory_space<vmem>>
        %dma_start3A_139 = arith.constant 0 : i32
        %dma_start3A_140 = arith.constant 0 : i32
        %dma_start3A_141 = tpu.memref_slice %arg2[%dma_start3A_139, %dma_start3A_140] : memref<1600000x16xf32, #tpu.memory_space<hbm>> -> memref<1600000x16xf32, #tpu.memory_space<hbm>>
        tpu.enqueue_indirect_dma source(%dma_start3A_141 : memref<1600000x16xf32, #tpu.memory_space<hbm>>) target(%arg7 : memref<128x16xf32, #tpu.memory_space<vmem>>) offsets(%dma_start3A_138 : memref<128xi32, #tpu.memory_space<vmem>>) semaphore(%arg9 : memref<!tpu.dma_semaphore, #tpu.memory_space<semaphore_mem>>)
      } else {
      }
    }
    %scan3A_22 = arith.constant 30 : i32
    return
  }
}

#map = affine_map<(d0, d1) -> (0, 0)>
#map1 = affine_map<(d0, d1) -> (0)>
#map2 = affine_map<(d0, d1) -> (0, 0, 0)>
module attributes {stable_mosaic.version = 14 : i64} {
  func.func @k(%arg0: i32, %arg1: i32, %arg2: memref<100000x128xf32, #tpu.memory_space<hbm>>, %arg3: memref<12288xi32, #tpu.memory_space<hbm>>, %arg4: memref<245760xi32, #tpu.memory_space<hbm>>, %arg5: memref<12288x128xf32, #tpu.memory_space<hbm>>, %arg6: memref<20x12288x128xf32, #tpu.memory_space<hbm>>, %arg7: memref<384xi32, #tpu.memory_space<vmem>>, %arg8: memref<7680xi32, #tpu.memory_space<vmem>>, %arg9: memref<128x128xf32, #tpu.memory_space<vmem>>, %arg10: memref<128x128xf32, #tpu.memory_space<vmem>>, %arg11: memref<!tpu.dma_semaphore, #tpu.memory_space<semaphore_mem>>, %arg12: memref<!tpu.dma_semaphore, #tpu.memory_space<semaphore_mem>>) attributes {dimension_semantics = [#tpu.dimension_semantics<core_parallel>, #tpu.dimension_semantics<subcore_parallel>], iteration_bounds = array<i64: 2, 16>, scalar_prefetch = 0 : i64, scratch_operands = 6 : i64, tpu.core_type = #tpu.core_type<sc_vector_subcore>, window_params = [{transform_indices = #map}, {transform_indices = #map1}, {transform_indices = #map1}, {transform_indices = #map}, {transform_indices = #map2}]} {
    %mul3A = arith.constant 2 : i32
    %mul3A_0 = arith.muli %arg1, %mul3A : i32
    %add3A = arith.addi %mul3A_0, %arg0 : i32
    %mul3A_1 = arith.constant 384 : i32
    %mul3A_2 = arith.muli %add3A, %mul3A_1 : i32
    %multiple_of3A = tpu.assume_multiple %mul3A_2, 8 : i32
    "tpu.region"() ({
      %run_scoped3A = tpu.sem_alloc : memref<!tpu.dma_semaphore, #tpu.memory_space<semaphore_mem>>
      %dma_start3A_58 = tpu.memref_slice %arg3[%multiple_of3A] : memref<12288xi32, #tpu.memory_space<hbm>> -> memref<384xi32, #tpu.memory_space<hbm>>
      %dma_start3A_59 = tpu.memref_slice %arg3[%multiple_of3A] : memref<12288xi32, #tpu.memory_space<hbm>> -> memref<384xi32, #tpu.memory_space<hbm>>
      tpu.enqueue_dma source(%dma_start3A_59 : memref<384xi32, #tpu.memory_space<hbm>>) target(%arg7 : memref<384xi32, #tpu.memory_space<vmem>>) target_semaphore(%run_scoped3A : memref<!tpu.dma_semaphore, #tpu.memory_space<semaphore_mem>>)
      %dma_wait3A_60 = tpu.memref_slice %arg3[%multiple_of3A] : memref<12288xi32, #tpu.memory_space<hbm>> -> memref<384xi32, #tpu.memory_space<hbm>>
      %dma_wait3A_61 = tpu.memref_slice %arg3[%multiple_of3A] : memref<12288xi32, #tpu.memory_space<hbm>> -> memref<384xi32, #tpu.memory_space<hbm>>
      tpu.wait_dma2 semaphore(%run_scoped3A : memref<!tpu.dma_semaphore, #tpu.memory_space<semaphore_mem>>) src(%dma_wait3A_61 : memref<384xi32, #tpu.memory_space<hbm>>) dst(%arg7 : memref<384xi32, #tpu.memory_space<vmem>>)
      tpu.yield
    }) : () -> ()
    %scan3A = arith.constant 0 : i32
    %scan3A_3 = arith.constant 0 : i32
    %scan3A_4 = arith.constant 20 : i32
    %scan3A_5 = arith.addi %scan3A_3, %scan3A_4 : i32
    %scan3A_6 = arith.constant 1 : i32
    scf.for %scan3A_58 = %scan3A_3 to %scan3A_5 step %scan3A_6  : i32 {
      %mul3A_59 = arith.constant 12288 : i32
      %mul3A_60 = arith.muli %scan3A_58, %mul3A_59 : i32
      %add3A_61 = arith.addi %mul3A_60, %multiple_of3A : i32
      %multiple_of3A_62 = tpu.assume_multiple %add3A_61, 8 : i32
      %mul3A_63 = arith.constant 384 : i32
      %mul3A_64 = arith.muli %scan3A_58, %mul3A_63 : i32
      %multiple_of3A_65 = tpu.assume_multiple %mul3A_64, 8 : i32
      "tpu.region"() ({
        %run_scoped3A = tpu.sem_alloc : memref<!tpu.dma_semaphore, #tpu.memory_space<semaphore_mem>>
        %dma_start3A_66 = tpu.memref_slice %arg8[%multiple_of3A_65] : memref<7680xi32, #tpu.memory_space<vmem>> -> memref<384xi32, #tpu.memory_space<vmem>>
        %dma_start3A_67 = tpu.memref_slice %arg4[%multiple_of3A_62] : memref<245760xi32, #tpu.memory_space<hbm>> -> memref<384xi32, #tpu.memory_space<hbm>>
        %dma_start3A_68 = tpu.memref_slice %arg8[%multiple_of3A_65] : memref<7680xi32, #tpu.memory_space<vmem>> -> memref<384xi32, #tpu.memory_space<vmem>>
        %dma_start3A_69 = tpu.memref_slice %arg4[%multiple_of3A_62] : memref<245760xi32, #tpu.memory_space<hbm>> -> memref<384xi32, #tpu.memory_space<hbm>>
        tpu.enqueue_dma source(%dma_start3A_69 : memref<384xi32, #tpu.memory_space<hbm>>) target(%dma_start3A_68 : memref<384xi32, #tpu.memory_space<vmem>>) target_semaphore(%run_scoped3A : memref<!tpu.dma_semaphore, #tpu.memory_space<semaphore_mem>>)
        %dma_wait3A_70 = tpu.memref_slice %arg8[%multiple_of3A_65] : memref<7680xi32, #tpu.memory_space<vmem>> -> memref<384xi32, #tpu.memory_space<vmem>>
        %dma_wait3A_71 = tpu.memref_slice %arg4[%multiple_of3A_62] : memref<245760xi32, #tpu.memory_space<hbm>> -> memref<384xi32, #tpu.memory_space<hbm>>
        %dma_wait3A_72 = tpu.memref_slice %arg8[%multiple_of3A_65] : memref<7680xi32, #tpu.memory_space<vmem>> -> memref<384xi32, #tpu.memory_space<vmem>>
        %dma_wait3A_73 = tpu.memref_slice %arg4[%multiple_of3A_62] : memref<245760xi32, #tpu.memory_space<hbm>> -> memref<384xi32, #tpu.memory_space<hbm>>
        tpu.wait_dma2 semaphore(%run_scoped3A : memref<!tpu.dma_semaphore, #tpu.memory_space<semaphore_mem>>) src(%dma_wait3A_73 : memref<384xi32, #tpu.memory_space<hbm>>) dst(%dma_wait3A_72 : memref<384xi32, #tpu.memory_space<vmem>>)
        tpu.yield
      }) : () -> ()
    }
    %scan3A_7 = arith.constant 20 : i32
    %dma_start3A = arith.constant 0 : i32
    %dma_start3A_8 = tpu.memref_slice %arg7[%dma_start3A] : memref<384xi32, #tpu.memory_space<vmem>> -> memref<128xi32, #tpu.memory_space<vmem>>
    %dma_start3A_9 = arith.constant 0 : i32
    %dma_start3A_10 = arith.constant 0 : i32
    %dma_start3A_11 = tpu.memref_slice %arg2[%dma_start3A_9, %dma_start3A_10] : memref<100000x128xf32, #tpu.memory_space<hbm>> -> memref<100000x128xf32, #tpu.memory_space<hbm>>
    tpu.enqueue_indirect_dma source(%dma_start3A_11 : memref<100000x128xf32, #tpu.memory_space<hbm>>) target(%arg9 : memref<128x128xf32, #tpu.memory_space<vmem>>) offsets(%dma_start3A_8 : memref<128xi32, #tpu.memory_space<vmem>>) semaphore(%arg11 : memref<!tpu.dma_semaphore, #tpu.memory_space<semaphore_mem>>)
    %dma_wait3A = arith.constant 0 : i32
    %dma_wait3A_12 = tpu.memref_slice %arg7[%dma_wait3A] : memref<384xi32, #tpu.memory_space<vmem>> -> memref<128xi32, #tpu.memory_space<vmem>>
    %dma_wait3A_13 = arith.constant 0 : i32
    %dma_wait3A_14 = arith.constant 0 : i32
    %dma_wait3A_15 = tpu.memref_slice %arg2[%dma_wait3A_13, %dma_wait3A_14] : memref<100000x128xf32, #tpu.memory_space<hbm>> -> memref<100000x128xf32, #tpu.memory_space<hbm>>
    tpu.wait_indirect_dma semaphore(%arg11 : memref<!tpu.dma_semaphore, #tpu.memory_space<semaphore_mem>>) src(%dma_wait3A_15 : memref<100000x128xf32, #tpu.memory_space<hbm>>) dst(%arg9 : memref<128x128xf32, #tpu.memory_space<vmem>>)
    %add3A_16 = arith.constant 0 : i32
    %add3A_17 = arith.addi %multiple_of3A, %add3A_16 : i32
    "tpu.region"() ({
      %run_scoped3A = tpu.sem_alloc : memref<!tpu.dma_semaphore, #tpu.memory_space<semaphore_mem>>
      %dma_start3A_58 = arith.constant 0 : i32
      %dma_start3A_59 = tpu.memref_slice %arg5[%add3A_17, %dma_start3A_58] : memref<12288x128xf32, #tpu.memory_space<hbm>> -> memref<128x128xf32, #tpu.memory_space<hbm>>
      %dma_start3A_60 = arith.constant 0 : i32
      %dma_start3A_61 = tpu.memref_slice %arg5[%add3A_17, %dma_start3A_60] : memref<12288x128xf32, #tpu.memory_space<hbm>> -> memref<128x128xf32, #tpu.memory_space<hbm>>
      tpu.enqueue_dma source(%arg9 : memref<128x128xf32, #tpu.memory_space<vmem>>) target(%dma_start3A_61 : memref<128x128xf32, #tpu.memory_space<hbm>>) target_semaphore(%run_scoped3A : memref<!tpu.dma_semaphore, #tpu.memory_space<semaphore_mem>>)
      %dma_wait3A_62 = arith.constant 0 : i32
      %dma_wait3A_63 = tpu.memref_slice %arg5[%add3A_17, %dma_wait3A_62] : memref<12288x128xf32, #tpu.memory_space<hbm>> -> memref<128x128xf32, #tpu.memory_space<hbm>>
      %dma_wait3A_64 = arith.constant 0 : i32
      %dma_wait3A_65 = tpu.memref_slice %arg5[%add3A_17, %dma_wait3A_64] : memref<12288x128xf32, #tpu.memory_space<hbm>> -> memref<128x128xf32, #tpu.memory_space<hbm>>
      tpu.wait_dma2 semaphore(%run_scoped3A : memref<!tpu.dma_semaphore, #tpu.memory_space<semaphore_mem>>) src(%arg9 : memref<128x128xf32, #tpu.memory_space<vmem>>) dst(%dma_wait3A_65 : memref<128x128xf32, #tpu.memory_space<hbm>>)
      tpu.yield
    }) : () -> ()
    %dma_start3A_18 = arith.constant 128 : i32
    %dma_start3A_19 = tpu.memref_slice %arg7[%dma_start3A_18] : memref<384xi32, #tpu.memory_space<vmem>> -> memref<128xi32, #tpu.memory_space<vmem>>
    %dma_start3A_20 = arith.constant 0 : i32
    %dma_start3A_21 = arith.constant 0 : i32
    %dma_start3A_22 = tpu.memref_slice %arg2[%dma_start3A_20, %dma_start3A_21] : memref<100000x128xf32, #tpu.memory_space<hbm>> -> memref<100000x128xf32, #tpu.memory_space<hbm>>
    tpu.enqueue_indirect_dma source(%dma_start3A_22 : memref<100000x128xf32, #tpu.memory_space<hbm>>) target(%arg9 : memref<128x128xf32, #tpu.memory_space<vmem>>) offsets(%dma_start3A_19 : memref<128xi32, #tpu.memory_space<vmem>>) semaphore(%arg11 : memref<!tpu.dma_semaphore, #tpu.memory_space<semaphore_mem>>)
    %dma_wait3A_23 = arith.constant 128 : i32
    %dma_wait3A_24 = tpu.memref_slice %arg7[%dma_wait3A_23] : memref<384xi32, #tpu.memory_space<vmem>> -> memref<128xi32, #tpu.memory_space<vmem>>
    %dma_wait3A_25 = arith.constant 0 : i32
    %dma_wait3A_26 = arith.constant 0 : i32
    %dma_wait3A_27 = tpu.memref_slice %arg2[%dma_wait3A_25, %dma_wait3A_26] : memref<100000x128xf32, #tpu.memory_space<hbm>> -> memref<100000x128xf32, #tpu.memory_space<hbm>>
    tpu.wait_indirect_dma semaphore(%arg11 : memref<!tpu.dma_semaphore, #tpu.memory_space<semaphore_mem>>) src(%dma_wait3A_27 : memref<100000x128xf32, #tpu.memory_space<hbm>>) dst(%arg9 : memref<128x128xf32, #tpu.memory_space<vmem>>)
    %add3A_28 = arith.constant 128 : i32
    %add3A_29 = arith.addi %multiple_of3A, %add3A_28 : i32
    "tpu.region"() ({
      %run_scoped3A = tpu.sem_alloc : memref<!tpu.dma_semaphore, #tpu.memory_space<semaphore_mem>>
      %dma_start3A_58 = arith.constant 0 : i32
      %dma_start3A_59 = tpu.memref_slice %arg5[%add3A_29, %dma_start3A_58] : memref<12288x128xf32, #tpu.memory_space<hbm>> -> memref<128x128xf32, #tpu.memory_space<hbm>>
      %dma_start3A_60 = arith.constant 0 : i32
      %dma_start3A_61 = tpu.memref_slice %arg5[%add3A_29, %dma_start3A_60] : memref<12288x128xf32, #tpu.memory_space<hbm>> -> memref<128x128xf32, #tpu.memory_space<hbm>>
      tpu.enqueue_dma source(%arg9 : memref<128x128xf32, #tpu.memory_space<vmem>>) target(%dma_start3A_61 : memref<128x128xf32, #tpu.memory_space<hbm>>) target_semaphore(%run_scoped3A : memref<!tpu.dma_semaphore, #tpu.memory_space<semaphore_mem>>)
      %dma_wait3A_62 = arith.constant 0 : i32
      %dma_wait3A_63 = tpu.memref_slice %arg5[%add3A_29, %dma_wait3A_62] : memref<12288x128xf32, #tpu.memory_space<hbm>> -> memref<128x128xf32, #tpu.memory_space<hbm>>
      %dma_wait3A_64 = arith.constant 0 : i32
      %dma_wait3A_65 = tpu.memref_slice %arg5[%add3A_29, %dma_wait3A_64] : memref<12288x128xf32, #tpu.memory_space<hbm>> -> memref<128x128xf32, #tpu.memory_space<hbm>>
      tpu.wait_dma2 semaphore(%run_scoped3A : memref<!tpu.dma_semaphore, #tpu.memory_space<semaphore_mem>>) src(%arg9 : memref<128x128xf32, #tpu.memory_space<vmem>>) dst(%dma_wait3A_65 : memref<128x128xf32, #tpu.memory_space<hbm>>)
      tpu.yield
    }) : () -> ()
    %dma_start3A_30 = arith.constant 256 : i32
    %dma_start3A_31 = tpu.memref_slice %arg7[%dma_start3A_30] : memref<384xi32, #tpu.memory_space<vmem>> -> memref<128xi32, #tpu.memory_space<vmem>>
    %dma_start3A_32 = arith.constant 0 : i32
    %dma_start3A_33 = arith.constant 0 : i32
    %dma_start3A_34 = tpu.memref_slice %arg2[%dma_start3A_32, %dma_start3A_33] : memref<100000x128xf32, #tpu.memory_space<hbm>> -> memref<100000x128xf32, #tpu.memory_space<hbm>>
    tpu.enqueue_indirect_dma source(%dma_start3A_34 : memref<100000x128xf32, #tpu.memory_space<hbm>>) target(%arg9 : memref<128x128xf32, #tpu.memory_space<vmem>>) offsets(%dma_start3A_31 : memref<128xi32, #tpu.memory_space<vmem>>) semaphore(%arg11 : memref<!tpu.dma_semaphore, #tpu.memory_space<semaphore_mem>>)
    %dma_wait3A_35 = arith.constant 256 : i32
    %dma_wait3A_36 = tpu.memref_slice %arg7[%dma_wait3A_35] : memref<384xi32, #tpu.memory_space<vmem>> -> memref<128xi32, #tpu.memory_space<vmem>>
    %dma_wait3A_37 = arith.constant 0 : i32
    %dma_wait3A_38 = arith.constant 0 : i32
    %dma_wait3A_39 = tpu.memref_slice %arg2[%dma_wait3A_37, %dma_wait3A_38] : memref<100000x128xf32, #tpu.memory_space<hbm>> -> memref<100000x128xf32, #tpu.memory_space<hbm>>
    tpu.wait_indirect_dma semaphore(%arg11 : memref<!tpu.dma_semaphore, #tpu.memory_space<semaphore_mem>>) src(%dma_wait3A_39 : memref<100000x128xf32, #tpu.memory_space<hbm>>) dst(%arg9 : memref<128x128xf32, #tpu.memory_space<vmem>>)
    %add3A_40 = arith.constant 256 : i32
    %add3A_41 = arith.addi %multiple_of3A, %add3A_40 : i32
    "tpu.region"() ({
      %run_scoped3A = tpu.sem_alloc : memref<!tpu.dma_semaphore, #tpu.memory_space<semaphore_mem>>
      %dma_start3A_58 = arith.constant 0 : i32
      %dma_start3A_59 = tpu.memref_slice %arg5[%add3A_41, %dma_start3A_58] : memref<12288x128xf32, #tpu.memory_space<hbm>> -> memref<128x128xf32, #tpu.memory_space<hbm>>
      %dma_start3A_60 = arith.constant 0 : i32
      %dma_start3A_61 = tpu.memref_slice %arg5[%add3A_41, %dma_start3A_60] : memref<12288x128xf32, #tpu.memory_space<hbm>> -> memref<128x128xf32, #tpu.memory_space<hbm>>
      tpu.enqueue_dma source(%arg9 : memref<128x128xf32, #tpu.memory_space<vmem>>) target(%dma_start3A_61 : memref<128x128xf32, #tpu.memory_space<hbm>>) target_semaphore(%run_scoped3A : memref<!tpu.dma_semaphore, #tpu.memory_space<semaphore_mem>>)
      %dma_wait3A_62 = arith.constant 0 : i32
      %dma_wait3A_63 = tpu.memref_slice %arg5[%add3A_41, %dma_wait3A_62] : memref<12288x128xf32, #tpu.memory_space<hbm>> -> memref<128x128xf32, #tpu.memory_space<hbm>>
      %dma_wait3A_64 = arith.constant 0 : i32
      %dma_wait3A_65 = tpu.memref_slice %arg5[%add3A_41, %dma_wait3A_64] : memref<12288x128xf32, #tpu.memory_space<hbm>> -> memref<128x128xf32, #tpu.memory_space<hbm>>
      tpu.wait_dma2 semaphore(%run_scoped3A : memref<!tpu.dma_semaphore, #tpu.memory_space<semaphore_mem>>) src(%arg9 : memref<128x128xf32, #tpu.memory_space<vmem>>) dst(%dma_wait3A_65 : memref<128x128xf32, #tpu.memory_space<hbm>>)
      tpu.yield
    }) : () -> ()
    %dma_start3A_42 = arith.constant 0 : i32
    %dma_start3A_43 = tpu.memref_slice %arg8[%dma_start3A_42] : memref<7680xi32, #tpu.memory_space<vmem>> -> memref<128xi32, #tpu.memory_space<vmem>>
    %dma_start3A_44 = arith.constant 0 : i32
    %dma_start3A_45 = arith.constant 0 : i32
    %dma_start3A_46 = tpu.memref_slice %arg2[%dma_start3A_44, %dma_start3A_45] : memref<100000x128xf32, #tpu.memory_space<hbm>> -> memref<100000x128xf32, #tpu.memory_space<hbm>>
    tpu.enqueue_indirect_dma source(%dma_start3A_46 : memref<100000x128xf32, #tpu.memory_space<hbm>>) target(%arg9 : memref<128x128xf32, #tpu.memory_space<vmem>>) offsets(%dma_start3A_43 : memref<128xi32, #tpu.memory_space<vmem>>) semaphore(%arg11 : memref<!tpu.dma_semaphore, #tpu.memory_space<semaphore_mem>>)
    %dma_start3A_47 = arith.constant 128 : i32
    %dma_start3A_48 = tpu.memref_slice %arg8[%dma_start3A_47] : memref<7680xi32, #tpu.memory_space<vmem>> -> memref<128xi32, #tpu.memory_space<vmem>>
    %dma_start3A_49 = arith.constant 0 : i32
    %dma_start3A_50 = arith.constant 0 : i32
    %dma_start3A_51 = tpu.memref_slice %arg2[%dma_start3A_49, %dma_start3A_50] : memref<100000x128xf32, #tpu.memory_space<hbm>> -> memref<100000x128xf32, #tpu.memory_space<hbm>>
    tpu.enqueue_indirect_dma source(%dma_start3A_51 : memref<100000x128xf32, #tpu.memory_space<hbm>>) target(%arg10 : memref<128x128xf32, #tpu.memory_space<vmem>>) offsets(%dma_start3A_48 : memref<128xi32, #tpu.memory_space<vmem>>) semaphore(%arg12 : memref<!tpu.dma_semaphore, #tpu.memory_space<semaphore_mem>>)
    %scan3A_52 = arith.constant 0 : i32
    %scan3A_53 = arith.constant 0 : i32
    %scan3A_54 = arith.constant 30 : i32
    %scan3A_55 = arith.addi %scan3A_53, %scan3A_54 : i32
    %scan3A_56 = arith.constant 1 : i32
    scf.for %scan3A_58 = %scan3A_53 to %scan3A_55 step %scan3A_56  : i32 {
      %mul3A_59 = arith.constant 2 : i32
      %mul3A_60 = arith.muli %mul3A_59, %scan3A_58 : i32
      %add3A_61 = arith.constant 0 : i32
      %add3A_62 = arith.addi %mul3A_60, %add3A_61 : i32
      %dma_wait3A_63 = arith.constant 0 : i32
      %dma_wait3A_64 = arith.constant 0 : i32
      %dma_wait3A_65 = tpu.memref_slice %arg2[%dma_wait3A_63, %dma_wait3A_64] : memref<100000x128xf32, #tpu.memory_space<hbm>> -> memref<128x128xf32, #tpu.memory_space<hbm>>
      %dma_wait3A_66 = arith.constant 0 : i32
      %dma_wait3A_67 = arith.constant 0 : i32
      %dma_wait3A_68 = tpu.memref_slice %arg2[%dma_wait3A_66, %dma_wait3A_67] : memref<100000x128xf32, #tpu.memory_space<hbm>> -> memref<128x128xf32, #tpu.memory_space<hbm>>
      tpu.wait_dma2 semaphore(%arg11 : memref<!tpu.dma_semaphore, #tpu.memory_space<semaphore_mem>>) src(%dma_wait3A_68 : memref<128x128xf32, #tpu.memory_space<hbm>>) dst(%arg9 : memref<128x128xf32, #tpu.memory_space<vmem>>)
      %jit3A = arith.constant 3 : i32
      %div3A = arith.divsi %add3A_62, %jit3A : i32
      %sign3A = arith.constant 0 : i32
      %sign3A_69 = arith.cmpi sgt, %add3A_62, %sign3A : i32
      %sign3A_70 = arith.extui %sign3A_69 : i1 to i32
      %sign3A_71 = arith.constant 0 : i32
      %sign3A_72 = arith.cmpi slt, %add3A_62, %sign3A_71 : i32
      %sign3A_73 = arith.extui %sign3A_72 : i1 to i32
      %sign3A_74 = arith.subi %sign3A_70, %sign3A_73 : i32
      %sign3A_75 = arith.constant 0 : i32
      %sign3A_76 = arith.cmpi sgt, %jit3A, %sign3A_75 : i32
      %sign3A_77 = arith.extui %sign3A_76 : i1 to i32
      %sign3A_78 = arith.constant 0 : i32
      %sign3A_79 = arith.cmpi slt, %jit3A, %sign3A_78 : i32
      %sign3A_80 = arith.extui %sign3A_79 : i1 to i32
      %sign3A_81 = arith.subi %sign3A_77, %sign3A_80 : i32
      %ne3A = arith.cmpi ne, %sign3A_74, %sign3A_81 : i32
      %rem3A = arith.remsi %add3A_62, %jit3A : i32
      %ne3A_82 = arith.constant 0 : i32
      %ne3A_83 = arith.cmpi ne, %rem3A, %ne3A_82 : i32
      %and3A = arith.andi %ne3A, %ne3A_83 : i1
      %sub3A = arith.constant 1 : i32
      %sub3A_84 = arith.subi %div3A, %sub3A : i32
      %select_n3A = arith.select %and3A, %sub3A_84, %div3A : i32
      %jit3A_85 = arith.constant 3 : i32
      %eq3A = arith.constant 0 : i32
      %eq3A_86 = arith.cmpi eq, %jit3A_85, %eq3A : i32
      %jit3A_87 = arith.constant 1 : i32
      %select_n3A_88 = arith.select %eq3A_86, %jit3A_87, %jit3A_85 : i32
      %rem3A_89 = arith.remsi %add3A_62, %select_n3A_88 : i32
      %ne3A_90 = arith.constant 0 : i32
      %ne3A_91 = arith.cmpi ne, %rem3A_89, %ne3A_90 : i32
      %lt3A = arith.constant 0 : i32
      %lt3A_92 = arith.cmpi slt, %rem3A_89, %lt3A : i32
      %lt3A_93 = arith.constant 0 : i32
      %lt3A_94 = arith.cmpi slt, %select_n3A_88, %lt3A_93 : i32
      %ne3A_95 = arith.xori %lt3A_92, %lt3A_94 : i1
      %and3A_96 = arith.andi %ne3A_95, %ne3A_91 : i1
      %add3A_97 = arith.addi %rem3A_89, %select_n3A_88 : i32
      %select_n3A_98 = arith.select %and3A_96, %add3A_97, %rem3A_89 : i32
      %mul3A_99 = arith.constant 128 : i32
      %mul3A_100 = arith.muli %select_n3A_98, %mul3A_99 : i32
      %add3A_101 = arith.addi %multiple_of3A, %mul3A_100 : i32
      %multiple_of3A_102 = tpu.assume_multiple %add3A_101, 8 : i32
      "tpu.region"() ({
        %run_scoped3A = tpu.sem_alloc : memref<!tpu.dma_semaphore, #tpu.memory_space<semaphore_mem>>
        %dma_start3A_169 = arith.constant 0 : i32
        %dma_start3A_170 = tpu.memref_slice %arg6[%select_n3A, %multiple_of3A_102, %dma_start3A_169] : memref<20x12288x128xf32, #tpu.memory_space<hbm>> -> memref<1x128x128xf32, #tpu.memory_space<hbm>>
        %dma_start3A_171 = tpu.memref_squeeze %dma_start3A_170 : memref<1x128x128xf32, #tpu.memory_space<hbm>> -> memref<128x128xf32, #tpu.memory_space<hbm>>
        %dma_start3A_172 = arith.constant 0 : i32
        %dma_start3A_173 = tpu.memref_slice %arg6[%select_n3A, %multiple_of3A_102, %dma_start3A_172] : memref<20x12288x128xf32, #tpu.memory_space<hbm>> -> memref<1x128x128xf32, #tpu.memory_space<hbm>>
        %dma_start3A_174 = tpu.memref_squeeze %dma_start3A_173 : memref<1x128x128xf32, #tpu.memory_space<hbm>> -> memref<128x128xf32, #tpu.memory_space<hbm>>
        tpu.enqueue_dma source(%arg9 : memref<128x128xf32, #tpu.memory_space<vmem>>) target(%dma_start3A_174 : memref<128x128xf32, #tpu.memory_space<hbm>>) target_semaphore(%run_scoped3A : memref<!tpu.dma_semaphore, #tpu.memory_space<semaphore_mem>>)
        %dma_wait3A_175 = arith.constant 0 : i32
        %dma_wait3A_176 = tpu.memref_slice %arg6[%select_n3A, %multiple_of3A_102, %dma_wait3A_175] : memref<20x12288x128xf32, #tpu.memory_space<hbm>> -> memref<1x128x128xf32, #tpu.memory_space<hbm>>
        %dma_wait3A_177 = tpu.memref_squeeze %dma_wait3A_176 : memref<1x128x128xf32, #tpu.memory_space<hbm>> -> memref<128x128xf32, #tpu.memory_space<hbm>>
        %dma_wait3A_178 = arith.constant 0 : i32
        %dma_wait3A_179 = tpu.memref_slice %arg6[%select_n3A, %multiple_of3A_102, %dma_wait3A_178] : memref<20x12288x128xf32, #tpu.memory_space<hbm>> -> memref<1x128x128xf32, #tpu.memory_space<hbm>>
        %dma_wait3A_180 = tpu.memref_squeeze %dma_wait3A_179 : memref<1x128x128xf32, #tpu.memory_space<hbm>> -> memref<128x128xf32, #tpu.memory_space<hbm>>
        tpu.wait_dma2 semaphore(%run_scoped3A : memref<!tpu.dma_semaphore, #tpu.memory_space<semaphore_mem>>) src(%arg9 : memref<128x128xf32, #tpu.memory_space<vmem>>) dst(%dma_wait3A_180 : memref<128x128xf32, #tpu.memory_space<hbm>>)
        tpu.yield
      }) : () -> ()
      %add3A_103 = arith.constant 2 : i32
      %add3A_104 = arith.addi %add3A_62, %add3A_103 : i32
      %lt3A_105 = arith.constant 60 : i32
      %lt3A_106 = arith.cmpi slt, %add3A_104, %lt3A_105 : i32
      %convert_element_type3A = arith.extui %lt3A_106 : i1 to i32
      %cond3A = arith.constant 0 : i32
      %cond3A_107 = arith.cmpi ne, %convert_element_type3A, %cond3A : i32
      scf.if %cond3A_107 {
        %add3A_169 = arith.constant 2 : i32
        %add3A_170 = arith.addi %add3A_62, %add3A_169 : i32
        %mul3A_171 = arith.constant 128 : i32
        %mul3A_172 = arith.muli %add3A_170, %mul3A_171 : i32
        %multiple_of3A_173 = tpu.assume_multiple %mul3A_172, 8 : i32
        %dma_start3A_174 = tpu.memref_slice %arg8[%multiple_of3A_173] : memref<7680xi32, #tpu.memory_space<vmem>> -> memref<128xi32, #tpu.memory_space<vmem>>
        %dma_start3A_175 = arith.constant 0 : i32
        %dma_start3A_176 = arith.constant 0 : i32
        %dma_start3A_177 = tpu.memref_slice %arg2[%dma_start3A_175, %dma_start3A_176] : memref<100000x128xf32, #tpu.memory_space<hbm>> -> memref<100000x128xf32, #tpu.memory_space<hbm>>
        tpu.enqueue_indirect_dma source(%dma_start3A_177 : memref<100000x128xf32, #tpu.memory_space<hbm>>) target(%arg9 : memref<128x128xf32, #tpu.memory_space<vmem>>) offsets(%dma_start3A_174 : memref<128xi32, #tpu.memory_space<vmem>>) semaphore(%arg11 : memref<!tpu.dma_semaphore, #tpu.memory_space<semaphore_mem>>)
      } else {
      }
      %mul3A_108 = arith.constant 2 : i32
      %mul3A_109 = arith.muli %mul3A_108, %scan3A_58 : i32
      %add3A_110 = arith.constant 1 : i32
      %add3A_111 = arith.addi %mul3A_109, %add3A_110 : i32
      %dma_wait3A_112 = arith.constant 0 : i32
      %dma_wait3A_113 = arith.constant 0 : i32
      %dma_wait3A_114 = tpu.memref_slice %arg2[%dma_wait3A_112, %dma_wait3A_113] : memref<100000x128xf32, #tpu.memory_space<hbm>> -> memref<128x128xf32, #tpu.memory_space<hbm>>
      %dma_wait3A_115 = arith.constant 0 : i32
      %dma_wait3A_116 = arith.constant 0 : i32
      %dma_wait3A_117 = tpu.memref_slice %arg2[%dma_wait3A_115, %dma_wait3A_116] : memref<100000x128xf32, #tpu.memory_space<hbm>> -> memref<128x128xf32, #tpu.memory_space<hbm>>
      tpu.wait_dma2 semaphore(%arg12 : memref<!tpu.dma_semaphore, #tpu.memory_space<semaphore_mem>>) src(%dma_wait3A_117 : memref<128x128xf32, #tpu.memory_space<hbm>>) dst(%arg10 : memref<128x128xf32, #tpu.memory_space<vmem>>)
      %jit3A_118 = arith.constant 3 : i32
      %div3A_119 = arith.divsi %add3A_111, %jit3A_118 : i32
      %sign3A_120 = arith.constant 0 : i32
      %sign3A_121 = arith.cmpi sgt, %add3A_111, %sign3A_120 : i32
      %sign3A_122 = arith.extui %sign3A_121 : i1 to i32
      %sign3A_123 = arith.constant 0 : i32
      %sign3A_124 = arith.cmpi slt, %add3A_111, %sign3A_123 : i32
      %sign3A_125 = arith.extui %sign3A_124 : i1 to i32
      %sign3A_126 = arith.subi %sign3A_122, %sign3A_125 : i32
      %sign3A_127 = arith.constant 0 : i32
      %sign3A_128 = arith.cmpi sgt, %jit3A_118, %sign3A_127 : i32
      %sign3A_129 = arith.extui %sign3A_128 : i1 to i32
      %sign3A_130 = arith.constant 0 : i32
      %sign3A_131 = arith.cmpi slt, %jit3A_118, %sign3A_130 : i32
      %sign3A_132 = arith.extui %sign3A_131 : i1 to i32
      %sign3A_133 = arith.subi %sign3A_129, %sign3A_132 : i32
      %ne3A_134 = arith.cmpi ne, %sign3A_126, %sign3A_133 : i32
      %rem3A_135 = arith.remsi %add3A_111, %jit3A_118 : i32
      %ne3A_136 = arith.constant 0 : i32
      %ne3A_137 = arith.cmpi ne, %rem3A_135, %ne3A_136 : i32
      %and3A_138 = arith.andi %ne3A_134, %ne3A_137 : i1
      %sub3A_139 = arith.constant 1 : i32
      %sub3A_140 = arith.subi %div3A_119, %sub3A_139 : i32
      %select_n3A_141 = arith.select %and3A_138, %sub3A_140, %div3A_119 : i32
      %jit3A_142 = arith.constant 3 : i32
      %eq3A_143 = arith.constant 0 : i32
      %eq3A_144 = arith.cmpi eq, %jit3A_142, %eq3A_143 : i32
      %jit3A_145 = arith.constant 1 : i32
      %select_n3A_146 = arith.select %eq3A_144, %jit3A_145, %jit3A_142 : i32
      %rem3A_147 = arith.remsi %add3A_111, %select_n3A_146 : i32
      %ne3A_148 = arith.constant 0 : i32
      %ne3A_149 = arith.cmpi ne, %rem3A_147, %ne3A_148 : i32
      %lt3A_150 = arith.constant 0 : i32
      %lt3A_151 = arith.cmpi slt, %rem3A_147, %lt3A_150 : i32
      %lt3A_152 = arith.constant 0 : i32
      %lt3A_153 = arith.cmpi slt, %select_n3A_146, %lt3A_152 : i32
      %ne3A_154 = arith.xori %lt3A_151, %lt3A_153 : i1
      %and3A_155 = arith.andi %ne3A_154, %ne3A_149 : i1
      %add3A_156 = arith.addi %rem3A_147, %select_n3A_146 : i32
      %select_n3A_157 = arith.select %and3A_155, %add3A_156, %rem3A_147 : i32
      %mul3A_158 = arith.constant 128 : i32
      %mul3A_159 = arith.muli %select_n3A_157, %mul3A_158 : i32
      %add3A_160 = arith.addi %multiple_of3A, %mul3A_159 : i32
      %multiple_of3A_161 = tpu.assume_multiple %add3A_160, 8 : i32
      "tpu.region"() ({
        %run_scoped3A = tpu.sem_alloc : memref<!tpu.dma_semaphore, #tpu.memory_space<semaphore_mem>>
        %dma_start3A_169 = arith.constant 0 : i32
        %dma_start3A_170 = tpu.memref_slice %arg6[%select_n3A_141, %multiple_of3A_161, %dma_start3A_169] : memref<20x12288x128xf32, #tpu.memory_space<hbm>> -> memref<1x128x128xf32, #tpu.memory_space<hbm>>
        %dma_start3A_171 = tpu.memref_squeeze %dma_start3A_170 : memref<1x128x128xf32, #tpu.memory_space<hbm>> -> memref<128x128xf32, #tpu.memory_space<hbm>>
        %dma_start3A_172 = arith.constant 0 : i32
        %dma_start3A_173 = tpu.memref_slice %arg6[%select_n3A_141, %multiple_of3A_161, %dma_start3A_172] : memref<20x12288x128xf32, #tpu.memory_space<hbm>> -> memref<1x128x128xf32, #tpu.memory_space<hbm>>
        %dma_start3A_174 = tpu.memref_squeeze %dma_start3A_173 : memref<1x128x128xf32, #tpu.memory_space<hbm>> -> memref<128x128xf32, #tpu.memory_space<hbm>>
        tpu.enqueue_dma source(%arg10 : memref<128x128xf32, #tpu.memory_space<vmem>>) target(%dma_start3A_174 : memref<128x128xf32, #tpu.memory_space<hbm>>) target_semaphore(%run_scoped3A : memref<!tpu.dma_semaphore, #tpu.memory_space<semaphore_mem>>)
        %dma_wait3A_175 = arith.constant 0 : i32
        %dma_wait3A_176 = tpu.memref_slice %arg6[%select_n3A_141, %multiple_of3A_161, %dma_wait3A_175] : memref<20x12288x128xf32, #tpu.memory_space<hbm>> -> memref<1x128x128xf32, #tpu.memory_space<hbm>>
        %dma_wait3A_177 = tpu.memref_squeeze %dma_wait3A_176 : memref<1x128x128xf32, #tpu.memory_space<hbm>> -> memref<128x128xf32, #tpu.memory_space<hbm>>
        %dma_wait3A_178 = arith.constant 0 : i32
        %dma_wait3A_179 = tpu.memref_slice %arg6[%select_n3A_141, %multiple_of3A_161, %dma_wait3A_178] : memref<20x12288x128xf32, #tpu.memory_space<hbm>> -> memref<1x128x128xf32, #tpu.memory_space<hbm>>
        %dma_wait3A_180 = tpu.memref_squeeze %dma_wait3A_179 : memref<1x128x128xf32, #tpu.memory_space<hbm>> -> memref<128x128xf32, #tpu.memory_space<hbm>>
        tpu.wait_dma2 semaphore(%run_scoped3A : memref<!tpu.dma_semaphore, #tpu.memory_space<semaphore_mem>>) src(%arg10 : memref<128x128xf32, #tpu.memory_space<vmem>>) dst(%dma_wait3A_180 : memref<128x128xf32, #tpu.memory_space<hbm>>)
        tpu.yield
      }) : () -> ()
      %add3A_162 = arith.constant 2 : i32
      %add3A_163 = arith.addi %add3A_111, %add3A_162 : i32
      %lt3A_164 = arith.constant 60 : i32
      %lt3A_165 = arith.cmpi slt, %add3A_163, %lt3A_164 : i32
      %convert_element_type3A_166 = arith.extui %lt3A_165 : i1 to i32
      %cond3A_167 = arith.constant 0 : i32
      %cond3A_168 = arith.cmpi ne, %convert_element_type3A_166, %cond3A_167 : i32
      scf.if %cond3A_168 {
        %add3A_169 = arith.constant 2 : i32
        %add3A_170 = arith.addi %add3A_111, %add3A_169 : i32
        %mul3A_171 = arith.constant 128 : i32
        %mul3A_172 = arith.muli %add3A_170, %mul3A_171 : i32
        %multiple_of3A_173 = tpu.assume_multiple %mul3A_172, 8 : i32
        %dma_start3A_174 = tpu.memref_slice %arg8[%multiple_of3A_173] : memref<7680xi32, #tpu.memory_space<vmem>> -> memref<128xi32, #tpu.memory_space<vmem>>
        %dma_start3A_175 = arith.constant 0 : i32
        %dma_start3A_176 = arith.constant 0 : i32
        %dma_start3A_177 = tpu.memref_slice %arg2[%dma_start3A_175, %dma_start3A_176] : memref<100000x128xf32, #tpu.memory_space<hbm>> -> memref<100000x128xf32, #tpu.memory_space<hbm>>
        tpu.enqueue_indirect_dma source(%dma_start3A_177 : memref<100000x128xf32, #tpu.memory_space<hbm>>) target(%arg10 : memref<128x128xf32, #tpu.memory_space<vmem>>) offsets(%dma_start3A_174 : memref<128xi32, #tpu.memory_space<vmem>>) semaphore(%arg12 : memref<!tpu.dma_semaphore, #tpu.memory_space<semaphore_mem>>)
      } else {
      }
    }
    %scan3A_57 = arith.constant 30 : i32
    return
  }
}

module attributes {stable_mosaic.version = 14 : i64} {
  func.func @_tc_body(%arg0: i32, %arg1: memref<256x128xf32, #tpu.memory_space<vmem>>, %arg2: memref<20x256x128xf32, #tpu.memory_space<vmem>>, %arg3: memref<20x256x16xf32, #tpu.memory_space<vmem>>, %arg4: memref<20x256x1xf32, #tpu.memory_space<vmem>>, %arg5: memref<128x128xf32, #tpu.memory_space<vmem>>, %arg6: memref<128x128xf32, #tpu.memory_space<vmem>>, %arg7: memref<128x128xf32, #tpu.memory_space<vmem>>, %arg8: memref<16x128xf32, #tpu.memory_space<vmem>>, %arg9: memref<128x128xf32, #tpu.memory_space<vmem>>, %arg10: memref<128x128xf32, #tpu.memory_space<vmem>>, %arg11: memref<16x128xf32, #tpu.memory_space<vmem>>, %arg12: memref<128x128xf32, #tpu.memory_space<vmem>>, %arg13: memref<128x128xf32, #tpu.memory_space<vmem>>, %arg14: memref<128x128xf32, #tpu.memory_space<vmem>>, %arg15: memref<1x128xf32, #tpu.memory_space<vmem>>, %arg16: memref<128x128xf32, #tpu.memory_space<vmem>>, %arg17: memref<1x128xf32, #tpu.memory_space<vmem>>, %arg18: memref<1x128xf32, #tpu.memory_space<vmem>>, %arg19: memref<1x128xf32, #tpu.memory_space<vmem>>, %arg20: memref<256x128xf32, #tpu.memory_space<vmem>>) attributes {dimension_semantics = [#tpu.dimension_semantics<arbitrary>], iteration_bounds = array<i64: 48>, scalar_prefetch = 0 : i64, scratch_operands = 0 : i64, tpu.core_type = #tpu.core_type<tc>, window_params = [{transform_indices = @transform_0, window_bounds = array<i64: 256, 128>}, {transform_indices = @transform_1, window_bounds = array<i64: 20, 256, 128>}, {transform_indices = @transform_2, window_bounds = array<i64: 20, 256, 16>}, {transform_indices = @transform_3, window_bounds = array<i64: 20, 256, 1>}, {pipeline_mode = #tpu.pipeline_mode<synchronous>, transform_indices = @transform_4, window_bounds = array<i64: 128, 128>}, {pipeline_mode = #tpu.pipeline_mode<synchronous>, transform_indices = @transform_5, window_bounds = array<i64: 128, 128>}, {pipeline_mode = #tpu.pipeline_mode<synchronous>, transform_indices = @transform_6, window_bounds = array<i64: 128, 128>}, {pipeline_mode = #tpu.pipeline_mode<synchronous>, transform_indices = @transform_7, window_bounds = array<i64: 16, 128>}, {pipeline_mode = #tpu.pipeline_mode<synchronous>, transform_indices = @transform_8, window_bounds = array<i64: 128, 128>}, {pipeline_mode = #tpu.pipeline_mode<synchronous>, transform_indices = @transform_9, window_bounds = array<i64: 128, 128>}, {pipeline_mode = #tpu.pipeline_mode<synchronous>, transform_indices = @transform_10, window_bounds = array<i64: 16, 128>}, {pipeline_mode = #tpu.pipeline_mode<synchronous>, transform_indices = @transform_11, window_bounds = array<i64: 128, 128>}, {pipeline_mode = #tpu.pipeline_mode<synchronous>, transform_indices = @transform_12, window_bounds = array<i64: 128, 128>}, {pipeline_mode = #tpu.pipeline_mode<synchronous>, transform_indices = @transform_13, window_bounds = array<i64: 128, 128>}, {pipeline_mode = #tpu.pipeline_mode<synchronous>, transform_indices = @transform_14, window_bounds = array<i64: 1, 128>}, {pipeline_mode = #tpu.pipeline_mode<synchronous>, transform_indices = @transform_15, window_bounds = array<i64: 128, 128>}, {pipeline_mode = #tpu.pipeline_mode<synchronous>, transform_indices = @transform_16, window_bounds = array<i64: 1, 128>}, {pipeline_mode = #tpu.pipeline_mode<synchronous>, transform_indices = @transform_17, window_bounds = array<i64: 1, 128>}, {pipeline_mode = #tpu.pipeline_mode<synchronous>, transform_indices = @transform_18, window_bounds = array<i64: 1, 128>}, {transform_indices = @transform_19, window_bounds = array<i64: 256, 128>}]} {
    %get3A = arith.constant 0 : index
    %get3A_0 = arith.constant 0 : index
    %get3A_1 = vector.load %arg1[%get3A, %get3A_0] : memref<256x128xf32, #tpu.memory_space<vmem>>, vector<256x128xf32>
    %get3A_2 = arith.constant 0 : index
    %get3A_3 = arith.constant 0 : index
    %get3A_4 = arith.constant 0 : index
    %get3A_5 = vector.load %arg2[%get3A_2, %get3A_3, %get3A_4] : memref<20x256x128xf32, #tpu.memory_space<vmem>>, vector<20x256x128xf32>
    %reshape3A = vector.shape_cast %get3A_5 : vector<20x256x128xf32> to vector<5120x128xf32>
    %get3A_6 = arith.constant 0 : index
    %get3A_7 = arith.constant 0 : index
    %get3A_8 = arith.constant 0 : index
    %get3A_9 = vector.load %arg3[%get3A_6, %get3A_7, %get3A_8] : memref<20x256x16xf32, #tpu.memory_space<vmem>>, vector<20x256x16xf32>
    %reshape3A_10 = vector.shape_cast %get3A_9 : vector<20x256x16xf32> to vector<5120x16xf32>
    %get3A_11 = arith.constant 0 : index
    %get3A_12 = arith.constant 0 : index
    %get3A_13 = arith.constant 0 : index
    %get3A_14 = vector.load %arg4[%get3A_11, %get3A_12, %get3A_13] : memref<20x256x1xf32, #tpu.memory_space<vmem>>, vector<20x256x1xf32>
    %reshape3A_15 = vector.shape_cast %get3A_14 : vector<20x256x1xf32> to vector<5120x1xf32>
    %get3A_16 = arith.constant 0 : index
    %get3A_17 = arith.constant 0 : index
    %get3A_18 = vector.load %arg18[%get3A_16, %get3A_17] : memref<1x128xf32, #tpu.memory_space<vmem>>, vector<1x128xf32>
    %get3A_19 = arith.constant 0 : index
    %get3A_20 = arith.constant 0 : index
    %get3A_21 = vector.load %arg19[%get3A_19, %get3A_20] : memref<1x128xf32, #tpu.memory_space<vmem>>, vector<1x128xf32>
    %mul3A = vector.broadcast %reshape3A_15 : vector<5120x1xf32> to vector<5120x128xf32>
    %mul3A_22 = vector.broadcast %get3A_18 : vector<1x128xf32> to vector<5120x128xf32>
    %mul3A_23 = arith.mulf %mul3A, %mul3A_22 : vector<5120x128xf32>
    %add3A = vector.broadcast %get3A_21 : vector<1x128xf32> to vector<5120x128xf32>
    %add3A_24 = arith.addf %mul3A_23, %add3A : vector<5120x128xf32>
    %mul3A_25 = arith.constant 0.159154937 : f32
    %mul3A_26 = vector.broadcast %mul3A_25 : f32 to vector<5120x128xf32>
    %mul3A_27 = arith.mulf %add3A_24, %mul3A_26 : vector<5120x128xf32>
    %round3A = math.roundeven %mul3A_27 : vector<5120x128xf32>
    %mul3A_28 = arith.constant 6.281250e+00 : f32
    %mul3A_29 = vector.broadcast %mul3A_28 : f32 to vector<5120x128xf32>
    %mul3A_30 = arith.mulf %round3A, %mul3A_29 : vector<5120x128xf32>
    %sub3A = arith.subf %add3A_24, %mul3A_30 : vector<5120x128xf32>
    %mul3A_31 = arith.constant 0.00193530717 : f32
    %mul3A_32 = vector.broadcast %mul3A_31 : f32 to vector<5120x128xf32>
    %mul3A_33 = arith.mulf %round3A, %mul3A_32 : vector<5120x128xf32>
    %sub3A_34 = arith.subf %sub3A, %mul3A_33 : vector<5120x128xf32>
    %mul3A_35 = arith.mulf %sub3A_34, %sub3A_34 : vector<5120x128xf32>
    %mul3A_36 = arith.constant 1.73691339E-9 : f32
    %mul3A_37 = vector.broadcast %mul3A_36 : f32 to vector<5120x128xf32>
    %mul3A_38 = arith.mulf %mul3A_37, %mul3A_35 : vector<5120x128xf32>
    %add3A_39 = arith.constant -2.71133729E-7 : f32
    %add3A_40 = vector.broadcast %add3A_39 : f32 to vector<5120x128xf32>
    %add3A_41 = arith.addf %mul3A_38, %add3A_40 : vector<5120x128xf32>
    %mul3A_42 = arith.mulf %add3A_41, %mul3A_35 : vector<5120x128xf32>
    %add3A_43 = arith.constant 2.47734242E-5 : f32
    %add3A_44 = vector.broadcast %add3A_43 : f32 to vector<5120x128xf32>
    %add3A_45 = arith.addf %mul3A_42, %add3A_44 : vector<5120x128xf32>
    %mul3A_46 = arith.mulf %add3A_45, %mul3A_35 : vector<5120x128xf32>
    %add3A_47 = arith.constant -0.00138879707 : f32
    %add3A_48 = vector.broadcast %add3A_47 : f32 to vector<5120x128xf32>
    %add3A_49 = arith.addf %mul3A_46, %add3A_48 : vector<5120x128xf32>
    %mul3A_50 = arith.mulf %add3A_49, %mul3A_35 : vector<5120x128xf32>
    %add3A_51 = arith.constant 0.0416665226 : f32
    %add3A_52 = vector.broadcast %add3A_51 : f32 to vector<5120x128xf32>
    %add3A_53 = arith.addf %mul3A_50, %add3A_52 : vector<5120x128xf32>
    %mul3A_54 = arith.mulf %add3A_53, %mul3A_35 : vector<5120x128xf32>
    %add3A_55 = arith.constant -0.499999911 : f32
    %add3A_56 = vector.broadcast %add3A_55 : f32 to vector<5120x128xf32>
    %add3A_57 = arith.addf %mul3A_54, %add3A_56 : vector<5120x128xf32>
    %mul3A_58 = arith.mulf %add3A_57, %mul3A_35 : vector<5120x128xf32>
    %add3A_59 = arith.constant 1.000000e+00 : f32
    %add3A_60 = vector.broadcast %add3A_59 : f32 to vector<5120x128xf32>
    %add3A_61 = arith.addf %mul3A_58, %add3A_60 : vector<5120x128xf32>
    %mul3A_62 = arith.constant 0.159154937 : f32
    %mul3A_63 = vector.broadcast %mul3A_62 : f32 to vector<1x128xf32>
    %mul3A_64 = arith.mulf %get3A_21, %mul3A_63 : vector<1x128xf32>
    %round3A_65 = math.roundeven %mul3A_64 : vector<1x128xf32>
    %mul3A_66 = arith.constant 6.281250e+00 : f32
    %mul3A_67 = vector.broadcast %mul3A_66 : f32 to vector<1x128xf32>
    %mul3A_68 = arith.mulf %round3A_65, %mul3A_67 : vector<1x128xf32>
    %sub3A_69 = arith.subf %get3A_21, %mul3A_68 : vector<1x128xf32>
    %mul3A_70 = arith.constant 0.00193530717 : f32
    %mul3A_71 = vector.broadcast %mul3A_70 : f32 to vector<1x128xf32>
    %mul3A_72 = arith.mulf %round3A_65, %mul3A_71 : vector<1x128xf32>
    %sub3A_73 = arith.subf %sub3A_69, %mul3A_72 : vector<1x128xf32>
    %mul3A_74 = arith.mulf %sub3A_73, %sub3A_73 : vector<1x128xf32>
    %mul3A_75 = arith.constant 1.73691339E-9 : f32
    %mul3A_76 = vector.broadcast %mul3A_75 : f32 to vector<1x128xf32>
    %mul3A_77 = arith.mulf %mul3A_76, %mul3A_74 : vector<1x128xf32>
    %add3A_78 = arith.constant -2.71133729E-7 : f32
    %add3A_79 = vector.broadcast %add3A_78 : f32 to vector<1x128xf32>
    %add3A_80 = arith.addf %mul3A_77, %add3A_79 : vector<1x128xf32>
    %mul3A_81 = arith.mulf %add3A_80, %mul3A_74 : vector<1x128xf32>
    %add3A_82 = arith.constant 2.47734242E-5 : f32
    %add3A_83 = vector.broadcast %add3A_82 : f32 to vector<1x128xf32>
    %add3A_84 = arith.addf %mul3A_81, %add3A_83 : vector<1x128xf32>
    %mul3A_85 = arith.mulf %add3A_84, %mul3A_74 : vector<1x128xf32>
    %add3A_86 = arith.constant -0.00138879707 : f32
    %add3A_87 = vector.broadcast %add3A_86 : f32 to vector<1x128xf32>
    %add3A_88 = arith.addf %mul3A_85, %add3A_87 : vector<1x128xf32>
    %mul3A_89 = arith.mulf %add3A_88, %mul3A_74 : vector<1x128xf32>
    %add3A_90 = arith.constant 0.0416665226 : f32
    %add3A_91 = vector.broadcast %add3A_90 : f32 to vector<1x128xf32>
    %add3A_92 = arith.addf %mul3A_89, %add3A_91 : vector<1x128xf32>
    %mul3A_93 = arith.mulf %add3A_92, %mul3A_74 : vector<1x128xf32>
    %add3A_94 = arith.constant -0.499999911 : f32
    %add3A_95 = vector.broadcast %add3A_94 : f32 to vector<1x128xf32>
    %add3A_96 = arith.addf %mul3A_93, %add3A_95 : vector<1x128xf32>
    %mul3A_97 = arith.mulf %add3A_96, %mul3A_74 : vector<1x128xf32>
    %add3A_98 = arith.constant 1.000000e+00 : f32
    %add3A_99 = vector.broadcast %add3A_98 : f32 to vector<1x128xf32>
    %add3A_100 = arith.addf %mul3A_97, %add3A_99 : vector<1x128xf32>
    %get3A_101 = arith.constant 0 : index
    %get3A_102 = arith.constant 0 : index
    %get3A_103 = vector.load %arg5[%get3A_101, %get3A_102] : memref<128x128xf32, #tpu.memory_space<vmem>>, vector<128x128xf32>
    %dot_general3A = arith.constant dense<0.000000e+00> : vector<256x128xf32>
    %dot_general3A_104 = tpu.matmul %get3A_1, %get3A_103, %dot_general3A {dimension_numbers = #tpu.dot_dimension_numbers<[1], [0], [0], [1], [0, 0, 1, 1], [], []>, transpose_lhs_hint = false} : vector<256x128xf32>, vector<128x128xf32>, vector<256x128xf32> -> vector<256x128xf32>
    %get3A_105 = arith.constant 0 : index
    %get3A_106 = arith.constant 0 : index
    %get3A_107 = vector.load %arg6[%get3A_105, %get3A_106] : memref<128x128xf32, #tpu.memory_space<vmem>>, vector<128x128xf32>
    %dot_general3A_108 = arith.constant dense<0.000000e+00> : vector<1x128xf32>
    %dot_general3A_109 = tpu.matmul %add3A_100, %get3A_107, %dot_general3A_108 {dimension_numbers = #tpu.dot_dimension_numbers<[1], [0], [0], [1], [0, 0, 1, 1], [], []>, transpose_lhs_hint = false} : vector<1x128xf32>, vector<128x128xf32>, vector<1x128xf32> -> vector<1x128xf32>
    %add3A_110 = vector.broadcast %dot_general3A_109 : vector<1x128xf32> to vector<256x128xf32>
    %add3A_111 = arith.addf %dot_general3A_104, %add3A_110 : vector<256x128xf32>
    %get3A_112 = arith.constant 0 : index
    %get3A_113 = arith.constant 0 : index
    %get3A_114 = vector.load %arg7[%get3A_112, %get3A_113] : memref<128x128xf32, #tpu.memory_space<vmem>>, vector<128x128xf32>
    %dot_general3A_115 = arith.constant dense<0.000000e+00> : vector<5120x128xf32>
    %dot_general3A_116 = tpu.matmul %reshape3A, %get3A_114, %dot_general3A_115 {dimension_numbers = #tpu.dot_dimension_numbers<[1], [0], [0], [1], [0, 0, 1, 1], [], []>, transpose_lhs_hint = false} : vector<5120x128xf32>, vector<128x128xf32>, vector<5120x128xf32> -> vector<5120x128xf32>
    %get3A_117 = arith.constant 0 : index
    %get3A_118 = arith.constant 0 : index
    %get3A_119 = vector.load %arg8[%get3A_117, %get3A_118] : memref<16x128xf32, #tpu.memory_space<vmem>>, vector<16x128xf32>
    %dot_general3A_120 = arith.constant dense<0.000000e+00> : vector<5120x128xf32>
    %dot_general3A_121 = tpu.matmul %reshape3A_10, %get3A_119, %dot_general3A_120 {dimension_numbers = #tpu.dot_dimension_numbers<[1], [0], [0], [1], [0, 0, 1, 1], [], []>, transpose_lhs_hint = false} : vector<5120x16xf32>, vector<16x128xf32>, vector<5120x128xf32> -> vector<5120x128xf32>
    %add3A_122 = arith.addf %dot_general3A_116, %dot_general3A_121 : vector<5120x128xf32>
    %get3A_123 = arith.constant 0 : index
    %get3A_124 = arith.constant 0 : index
    %get3A_125 = vector.load %arg9[%get3A_123, %get3A_124] : memref<128x128xf32, #tpu.memory_space<vmem>>, vector<128x128xf32>
    %dot_general3A_126 = arith.constant dense<0.000000e+00> : vector<5120x128xf32>
    %dot_general3A_127 = tpu.matmul %add3A_61, %get3A_125, %dot_general3A_126 {dimension_numbers = #tpu.dot_dimension_numbers<[1], [0], [0], [1], [0, 0, 1, 1], [], []>, transpose_lhs_hint = false} : vector<5120x128xf32>, vector<128x128xf32>, vector<5120x128xf32> -> vector<5120x128xf32>
    %add3A_128 = arith.addf %add3A_122, %dot_general3A_127 : vector<5120x128xf32>
    %get3A_129 = arith.constant 0 : index
    %get3A_130 = arith.constant 0 : index
    %get3A_131 = vector.load %arg10[%get3A_129, %get3A_130] : memref<128x128xf32, #tpu.memory_space<vmem>>, vector<128x128xf32>
    %dot_general3A_132 = arith.constant dense<0.000000e+00> : vector<5120x128xf32>
    %dot_general3A_133 = tpu.matmul %reshape3A, %get3A_131, %dot_general3A_132 {dimension_numbers = #tpu.dot_dimension_numbers<[1], [0], [0], [1], [0, 0, 1, 1], [], []>, transpose_lhs_hint = false} : vector<5120x128xf32>, vector<128x128xf32>, vector<5120x128xf32> -> vector<5120x128xf32>
    %get3A_134 = arith.constant 0 : index
    %get3A_135 = arith.constant 0 : index
    %get3A_136 = vector.load %arg11[%get3A_134, %get3A_135] : memref<16x128xf32, #tpu.memory_space<vmem>>, vector<16x128xf32>
    %dot_general3A_137 = arith.constant dense<0.000000e+00> : vector<5120x128xf32>
    %dot_general3A_138 = tpu.matmul %reshape3A_10, %get3A_136, %dot_general3A_137 {dimension_numbers = #tpu.dot_dimension_numbers<[1], [0], [0], [1], [0, 0, 1, 1], [], []>, transpose_lhs_hint = false} : vector<5120x16xf32>, vector<16x128xf32>, vector<5120x128xf32> -> vector<5120x128xf32>
    %add3A_139 = arith.addf %dot_general3A_133, %dot_general3A_138 : vector<5120x128xf32>
    %get3A_140 = arith.constant 0 : index
    %get3A_141 = arith.constant 0 : index
    %get3A_142 = vector.load %arg12[%get3A_140, %get3A_141] : memref<128x128xf32, #tpu.memory_space<vmem>>, vector<128x128xf32>
    %dot_general3A_143 = arith.constant dense<0.000000e+00> : vector<5120x128xf32>
    %dot_general3A_144 = tpu.matmul %add3A_61, %get3A_142, %dot_general3A_143 {dimension_numbers = #tpu.dot_dimension_numbers<[1], [0], [0], [1], [0, 0, 1, 1], [], []>, transpose_lhs_hint = false} : vector<5120x128xf32>, vector<128x128xf32>, vector<5120x128xf32> -> vector<5120x128xf32>
    %add3A_145 = arith.addf %add3A_139, %dot_general3A_144 : vector<5120x128xf32>
    %iota3A = tpu.iota {dimensions = array<i32: 0>} : vector<128x2xi32>
    %jit3A = arith.constant 64 : i32
    %div3A = vector.broadcast %jit3A : i32 to vector<128x2xi32>
    %div3A_146 = arith.divsi %iota3A, %div3A : vector<128x2xi32>
    %sign3A = arith.constant 0 : i32
    %sign3A_147 = vector.broadcast %sign3A : i32 to vector<128x2xi32>
    %sign3A_148 = arith.cmpi sgt, %iota3A, %sign3A_147 : vector<128x2xi32>
    %sign3A_149 = arith.extui %sign3A_148 : vector<128x2xi1> to vector<128x2xi32>
    %sign3A_150 = arith.constant 0 : i32
    %sign3A_151 = vector.broadcast %sign3A_150 : i32 to vector<128x2xi32>
    %sign3A_152 = arith.cmpi slt, %iota3A, %sign3A_151 : vector<128x2xi32>
    %sign3A_153 = arith.extui %sign3A_152 : vector<128x2xi1> to vector<128x2xi32>
    %sign3A_154 = arith.subi %sign3A_149, %sign3A_153 : vector<128x2xi32>
    %sign3A_155 = arith.constant 0 : i32
    %sign3A_156 = arith.cmpi sgt, %jit3A, %sign3A_155 : i32
    %sign3A_157 = arith.extui %sign3A_156 : i1 to i32
    %sign3A_158 = arith.constant 0 : i32
    %sign3A_159 = arith.cmpi slt, %jit3A, %sign3A_158 : i32
    %sign3A_160 = arith.extui %sign3A_159 : i1 to i32
    %sign3A_161 = arith.subi %sign3A_157, %sign3A_160 : i32
    %ne3A = vector.broadcast %sign3A_161 : i32 to vector<128x2xi32>
    %ne3A_162 = arith.cmpi ne, %sign3A_154, %ne3A : vector<128x2xi32>
    %rem3A = vector.broadcast %jit3A : i32 to vector<128x2xi32>
    %rem3A_163 = arith.remsi %iota3A, %rem3A : vector<128x2xi32>
    %ne3A_164 = arith.constant 0 : i32
    %ne3A_165 = vector.broadcast %ne3A_164 : i32 to vector<128x2xi32>
    %ne3A_166 = arith.cmpi ne, %rem3A_163, %ne3A_165 : vector<128x2xi32>
    %and3A = arith.andi %ne3A_162, %ne3A_166 : vector<128x2xi1>
    %sub3A_167 = arith.constant 1 : i32
    %sub3A_168 = vector.broadcast %sub3A_167 : i32 to vector<128x2xi32>
    %sub3A_169 = arith.subi %div3A_146, %sub3A_168 : vector<128x2xi32>
    %select_n3A = arith.select %and3A, %sub3A_169, %div3A_146 : vector<128x2xi1>, vector<128x2xi32>
    %iota3A_170 = tpu.iota {dimensions = array<i32: 1>} : vector<128x2xi32>
    %eq3A = arith.cmpi eq, %select_n3A, %iota3A_170 : vector<128x2xi32>
    %jit3A_171 = arith.constant 1.250000e-01 : f32
    %jit3A_172 = arith.constant 0.000000e+00 : f32
    %broadcast_in_dim3A = vector.broadcast %jit3A_171 : f32 to vector<128x2xf32>
    %broadcast_in_dim3A_173 = vector.broadcast %jit3A_172 : f32 to vector<128x2xf32>
    %select_n3A_174 = arith.select %eq3A, %broadcast_in_dim3A, %broadcast_in_dim3A_173 : vector<128x2xi1>, vector<128x2xf32>
    %iota3A_175 = tpu.iota {dimensions = array<i32: 0>} : vector<2x128xi32>
    %iota3A_176 = tpu.iota {dimensions = array<i32: 1>} : vector<2x128xi32>
    %jit3A_177 = arith.constant 64 : i32
    %div3A_178 = vector.broadcast %jit3A_177 : i32 to vector<2x128xi32>
    %div3A_179 = arith.divsi %iota3A_176, %div3A_178 : vector<2x128xi32>
    %sign3A_180 = arith.constant 0 : i32
    %sign3A_181 = vector.broadcast %sign3A_180 : i32 to vector<2x128xi32>
    %sign3A_182 = arith.cmpi sgt, %iota3A_176, %sign3A_181 : vector<2x128xi32>
    %sign3A_183 = arith.extui %sign3A_182 : vector<2x128xi1> to vector<2x128xi32>
    %sign3A_184 = arith.constant 0 : i32
    %sign3A_185 = vector.broadcast %sign3A_184 : i32 to vector<2x128xi32>
    %sign3A_186 = arith.cmpi slt, %iota3A_176, %sign3A_185 : vector<2x128xi32>
    %sign3A_187 = arith.extui %sign3A_186 : vector<2x128xi1> to vector<2x128xi32>
    %sign3A_188 = arith.subi %sign3A_183, %sign3A_187 : vector<2x128xi32>
    %sign3A_189 = arith.constant 0 : i32
    %sign3A_190 = arith.cmpi sgt, %jit3A_177, %sign3A_189 : i32
    %sign3A_191 = arith.extui %sign3A_190 : i1 to i32
    %sign3A_192 = arith.constant 0 : i32
    %sign3A_193 = arith.cmpi slt, %jit3A_177, %sign3A_192 : i32
    %sign3A_194 = arith.extui %sign3A_193 : i1 to i32
    %sign3A_195 = arith.subi %sign3A_191, %sign3A_194 : i32
    %ne3A_196 = vector.broadcast %sign3A_195 : i32 to vector<2x128xi32>
    %ne3A_197 = arith.cmpi ne, %sign3A_188, %ne3A_196 : vector<2x128xi32>
    %rem3A_198 = vector.broadcast %jit3A_177 : i32 to vector<2x128xi32>
    %rem3A_199 = arith.remsi %iota3A_176, %rem3A_198 : vector<2x128xi32>
    %ne3A_200 = arith.constant 0 : i32
    %ne3A_201 = vector.broadcast %ne3A_200 : i32 to vector<2x128xi32>
    %ne3A_202 = arith.cmpi ne, %rem3A_199, %ne3A_201 : vector<2x128xi32>
    %and3A_203 = arith.andi %ne3A_197, %ne3A_202 : vector<2x128xi1>
    %sub3A_204 = arith.constant 1 : i32
    %sub3A_205 = vector.broadcast %sub3A_204 : i32 to vector<2x128xi32>
    %sub3A_206 = arith.subi %div3A_179, %sub3A_205 : vector<2x128xi32>
    %select_n3A_207 = arith.select %and3A_203, %sub3A_206, %div3A_179 : vector<2x128xi1>, vector<2x128xi32>
    %eq3A_208 = arith.cmpi eq, %iota3A_175, %select_n3A_207 : vector<2x128xi32>
    %jit3A_209 = arith.constant 1.000000e+00 : f32
    %jit3A_210 = arith.constant 0.000000e+00 : f32
    %broadcast_in_dim3A_211 = vector.broadcast %jit3A_209 : f32 to vector<2x128xf32>
    %broadcast_in_dim3A_212 = vector.broadcast %jit3A_210 : f32 to vector<2x128xf32>
    %select_n3A_213 = arith.select %eq3A_208, %broadcast_in_dim3A_211, %broadcast_in_dim3A_212 : vector<2x128xi1>, vector<2x128xf32>
    %concatenate3A = tpu.concatenate %add3A_111, %add3A_111, %add3A_111, %add3A_111, %add3A_111, %add3A_111, %add3A_111, %add3A_111, %add3A_111, %add3A_111, %add3A_111, %add3A_111, %add3A_111, %add3A_111, %add3A_111, %add3A_111, %add3A_111, %add3A_111, %add3A_111, %add3A_111 in 0 : vector<256x128xf32>, vector<256x128xf32>, vector<256x128xf32>, vector<256x128xf32>, vector<256x128xf32>, vector<256x128xf32>, vector<256x128xf32>, vector<256x128xf32>, vector<256x128xf32>, vector<256x128xf32>, vector<256x128xf32>, vector<256x128xf32>, vector<256x128xf32>, vector<256x128xf32>, vector<256x128xf32>, vector<256x128xf32>, vector<256x128xf32>, vector<256x128xf32>, vector<256x128xf32>, vector<256x128xf32> -> vector<5120x128xf32>
    %mul3A_214 = arith.mulf %add3A_128, %concatenate3A : vector<5120x128xf32>
    %dot_general3A_215 = arith.constant dense<0.000000e+00> : vector<5120x2xf32>
    %dot_general3A_216 = tpu.matmul %mul3A_214, %select_n3A_174, %dot_general3A_215 {dimension_numbers = #tpu.dot_dimension_numbers<[1], [0], [0], [1], [0, 0, 1, 1], [], []>, transpose_lhs_hint = false} : vector<5120x128xf32>, vector<128x2xf32>, vector<5120x2xf32> -> vector<5120x2xf32>
    %reshape3A_217 = vector.shape_cast %dot_general3A_216 : vector<5120x2xf32> to vector<20x256x2xf32>
    %reduce_max3A = arith.constant dense<0xFF800000> : vector<256x2xf32>
    %reduce_max3A_218 = vector.multi_reduction <maximumf>, %reshape3A_217, %reduce_max3A [0] : vector<20x256x2xf32> to vector<256x2xf32>
    %broadcast_in_dim3A_219 = vector.shape_cast %reduce_max3A_218 : vector<256x2xf32> to vector<1x256x2xf32>
    %sub3A_220 = vector.broadcast %broadcast_in_dim3A_219 : vector<1x256x2xf32> to vector<20x256x2xf32>
    %sub3A_221 = arith.subf %reshape3A_217, %sub3A_220 : vector<20x256x2xf32>
    %exp3A = math.exp %sub3A_221 : vector<20x256x2xf32>
    %reduce_sum3A = arith.constant dense<0.000000e+00> : vector<256x2xf32>
    %reduce_sum3A_222 = vector.multi_reduction <add>, %exp3A, %reduce_sum3A [0] : vector<20x256x2xf32> to vector<256x2xf32>
    %broadcast_in_dim3A_223 = vector.shape_cast %reduce_sum3A_222 : vector<256x2xf32> to vector<1x256x2xf32>
    %div3A_224 = vector.broadcast %broadcast_in_dim3A_223 : vector<1x256x2xf32> to vector<20x256x2xf32>
    %div3A_225 = arith.divf %exp3A, %div3A_224 : vector<20x256x2xf32>
    %broadcast_in_dim3A_226 = arith.constant 0.000000e+00 : f32
    %broadcast_in_dim3A_227 = vector.broadcast %broadcast_in_dim3A_226 : f32 to vector<256x128xf32>
    %slice3A = vector.extract_strided_slice %div3A_225 {offsets = [0, 0, 0], sizes = [1, 256, 2], strides = [1, 1, 1]} : vector<20x256x2xf32> to vector<1x256x2xf32>
    %squeeze3A = vector.shape_cast %slice3A : vector<1x256x2xf32> to vector<256x2xf32>
    %dot_general3A_228 = arith.constant dense<0.000000e+00> : vector<256x128xf32>
    %dot_general3A_229 = tpu.matmul %squeeze3A, %select_n3A_213, %dot_general3A_228 {dimension_numbers = #tpu.dot_dimension_numbers<[1], [0], [0], [1], [0, 0, 1, 1], [], []>, transpose_lhs_hint = false} : vector<256x2xf32>, vector<2x128xf32>, vector<256x128xf32> -> vector<256x128xf32>
    %slice3A_230 = vector.extract_strided_slice %add3A_145 {offsets = [0, 0], sizes = [256, 128], strides = [1, 1]} : vector<5120x128xf32> to vector<256x128xf32>
    %mul3A_231 = arith.mulf %dot_general3A_229, %slice3A_230 : vector<256x128xf32>
    %add3A_232 = arith.addf %broadcast_in_dim3A_227, %mul3A_231 : vector<256x128xf32>
    %slice3A_233 = vector.extract_strided_slice %div3A_225 {offsets = [1, 0, 0], sizes = [1, 256, 2], strides = [1, 1, 1]} : vector<20x256x2xf32> to vector<1x256x2xf32>
    %squeeze3A_234 = vector.shape_cast %slice3A_233 : vector<1x256x2xf32> to vector<256x2xf32>
    %dot_general3A_235 = arith.constant dense<0.000000e+00> : vector<256x128xf32>
    %dot_general3A_236 = tpu.matmul %squeeze3A_234, %select_n3A_213, %dot_general3A_235 {dimension_numbers = #tpu.dot_dimension_numbers<[1], [0], [0], [1], [0, 0, 1, 1], [], []>, transpose_lhs_hint = false} : vector<256x2xf32>, vector<2x128xf32>, vector<256x128xf32> -> vector<256x128xf32>
    %slice3A_237 = vector.extract_strided_slice %add3A_145 {offsets = [256, 0], sizes = [256, 128], strides = [1, 1]} : vector<5120x128xf32> to vector<256x128xf32>
    %mul3A_238 = arith.mulf %dot_general3A_236, %slice3A_237 : vector<256x128xf32>
    %add3A_239 = arith.addf %add3A_232, %mul3A_238 : vector<256x128xf32>
    %slice3A_240 = vector.extract_strided_slice %div3A_225 {offsets = [2, 0, 0], sizes = [1, 256, 2], strides = [1, 1, 1]} : vector<20x256x2xf32> to vector<1x256x2xf32>
    %squeeze3A_241 = vector.shape_cast %slice3A_240 : vector<1x256x2xf32> to vector<256x2xf32>
    %dot_general3A_242 = arith.constant dense<0.000000e+00> : vector<256x128xf32>
    %dot_general3A_243 = tpu.matmul %squeeze3A_241, %select_n3A_213, %dot_general3A_242 {dimension_numbers = #tpu.dot_dimension_numbers<[1], [0], [0], [1], [0, 0, 1, 1], [], []>, transpose_lhs_hint = false} : vector<256x2xf32>, vector<2x128xf32>, vector<256x128xf32> -> vector<256x128xf32>
    %slice3A_244 = vector.extract_strided_slice %add3A_145 {offsets = [512, 0], sizes = [256, 128], strides = [1, 1]} : vector<5120x128xf32> to vector<256x128xf32>
    %mul3A_245 = arith.mulf %dot_general3A_243, %slice3A_244 : vector<256x128xf32>
    %add3A_246 = arith.addf %add3A_239, %mul3A_245 : vector<256x128xf32>
    %slice3A_247 = vector.extract_strided_slice %div3A_225 {offsets = [3, 0, 0], sizes = [1, 256, 2], strides = [1, 1, 1]} : vector<20x256x2xf32> to vector<1x256x2xf32>
    %squeeze3A_248 = vector.shape_cast %slice3A_247 : vector<1x256x2xf32> to vector<256x2xf32>
    %dot_general3A_249 = arith.constant dense<0.000000e+00> : vector<256x128xf32>
    %dot_general3A_250 = tpu.matmul %squeeze3A_248, %select_n3A_213, %dot_general3A_249 {dimension_numbers = #tpu.dot_dimension_numbers<[1], [0], [0], [1], [0, 0, 1, 1], [], []>, transpose_lhs_hint = false} : vector<256x2xf32>, vector<2x128xf32>, vector<256x128xf32> -> vector<256x128xf32>
    %slice3A_251 = vector.extract_strided_slice %add3A_145 {offsets = [768, 0], sizes = [256, 128], strides = [1, 1]} : vector<5120x128xf32> to vector<256x128xf32>
    %mul3A_252 = arith.mulf %dot_general3A_250, %slice3A_251 : vector<256x128xf32>
    %add3A_253 = arith.addf %add3A_246, %mul3A_252 : vector<256x128xf32>
    %slice3A_254 = vector.extract_strided_slice %div3A_225 {offsets = [4, 0, 0], sizes = [1, 256, 2], strides = [1, 1, 1]} : vector<20x256x2xf32> to vector<1x256x2xf32>
    %squeeze3A_255 = vector.shape_cast %slice3A_254 : vector<1x256x2xf32> to vector<256x2xf32>
    %dot_general3A_256 = arith.constant dense<0.000000e+00> : vector<256x128xf32>
    %dot_general3A_257 = tpu.matmul %squeeze3A_255, %select_n3A_213, %dot_general3A_256 {dimension_numbers = #tpu.dot_dimension_numbers<[1], [0], [0], [1], [0, 0, 1, 1], [], []>, transpose_lhs_hint = false} : vector<256x2xf32>, vector<2x128xf32>, vector<256x128xf32> -> vector<256x128xf32>
    %slice3A_258 = vector.extract_strided_slice %add3A_145 {offsets = [1024, 0], sizes = [256, 128], strides = [1, 1]} : vector<5120x128xf32> to vector<256x128xf32>
    %mul3A_259 = arith.mulf %dot_general3A_257, %slice3A_258 : vector<256x128xf32>
    %add3A_260 = arith.addf %add3A_253, %mul3A_259 : vector<256x128xf32>
    %slice3A_261 = vector.extract_strided_slice %div3A_225 {offsets = [5, 0, 0], sizes = [1, 256, 2], strides = [1, 1, 1]} : vector<20x256x2xf32> to vector<1x256x2xf32>
    %squeeze3A_262 = vector.shape_cast %slice3A_261 : vector<1x256x2xf32> to vector<256x2xf32>
    %dot_general3A_263 = arith.constant dense<0.000000e+00> : vector<256x128xf32>
    %dot_general3A_264 = tpu.matmul %squeeze3A_262, %select_n3A_213, %dot_general3A_263 {dimension_numbers = #tpu.dot_dimension_numbers<[1], [0], [0], [1], [0, 0, 1, 1], [], []>, transpose_lhs_hint = false} : vector<256x2xf32>, vector<2x128xf32>, vector<256x128xf32> -> vector<256x128xf32>
    %slice3A_265 = vector.extract_strided_slice %add3A_145 {offsets = [1280, 0], sizes = [256, 128], strides = [1, 1]} : vector<5120x128xf32> to vector<256x128xf32>
    %mul3A_266 = arith.mulf %dot_general3A_264, %slice3A_265 : vector<256x128xf32>
    %add3A_267 = arith.addf %add3A_260, %mul3A_266 : vector<256x128xf32>
    %slice3A_268 = vector.extract_strided_slice %div3A_225 {offsets = [6, 0, 0], sizes = [1, 256, 2], strides = [1, 1, 1]} : vector<20x256x2xf32> to vector<1x256x2xf32>
    %squeeze3A_269 = vector.shape_cast %slice3A_268 : vector<1x256x2xf32> to vector<256x2xf32>
    %dot_general3A_270 = arith.constant dense<0.000000e+00> : vector<256x128xf32>
    %dot_general3A_271 = tpu.matmul %squeeze3A_269, %select_n3A_213, %dot_general3A_270 {dimension_numbers = #tpu.dot_dimension_numbers<[1], [0], [0], [1], [0, 0, 1, 1], [], []>, transpose_lhs_hint = false} : vector<256x2xf32>, vector<2x128xf32>, vector<256x128xf32> -> vector<256x128xf32>
    %slice3A_272 = vector.extract_strided_slice %add3A_145 {offsets = [1536, 0], sizes = [256, 128], strides = [1, 1]} : vector<5120x128xf32> to vector<256x128xf32>
    %mul3A_273 = arith.mulf %dot_general3A_271, %slice3A_272 : vector<256x128xf32>
    %add3A_274 = arith.addf %add3A_267, %mul3A_273 : vector<256x128xf32>
    %slice3A_275 = vector.extract_strided_slice %div3A_225 {offsets = [7, 0, 0], sizes = [1, 256, 2], strides = [1, 1, 1]} : vector<20x256x2xf32> to vector<1x256x2xf32>
    %squeeze3A_276 = vector.shape_cast %slice3A_275 : vector<1x256x2xf32> to vector<256x2xf32>
    %dot_general3A_277 = arith.constant dense<0.000000e+00> : vector<256x128xf32>
    %dot_general3A_278 = tpu.matmul %squeeze3A_276, %select_n3A_213, %dot_general3A_277 {dimension_numbers = #tpu.dot_dimension_numbers<[1], [0], [0], [1], [0, 0, 1, 1], [], []>, transpose_lhs_hint = false} : vector<256x2xf32>, vector<2x128xf32>, vector<256x128xf32> -> vector<256x128xf32>
    %slice3A_279 = vector.extract_strided_slice %add3A_145 {offsets = [1792, 0], sizes = [256, 128], strides = [1, 1]} : vector<5120x128xf32> to vector<256x128xf32>
    %mul3A_280 = arith.mulf %dot_general3A_278, %slice3A_279 : vector<256x128xf32>
    %add3A_281 = arith.addf %add3A_274, %mul3A_280 : vector<256x128xf32>
    %slice3A_282 = vector.extract_strided_slice %div3A_225 {offsets = [8, 0, 0], sizes = [1, 256, 2], strides = [1, 1, 1]} : vector<20x256x2xf32> to vector<1x256x2xf32>
    %squeeze3A_283 = vector.shape_cast %slice3A_282 : vector<1x256x2xf32> to vector<256x2xf32>
    %dot_general3A_284 = arith.constant dense<0.000000e+00> : vector<256x128xf32>
    %dot_general3A_285 = tpu.matmul %squeeze3A_283, %select_n3A_213, %dot_general3A_284 {dimension_numbers = #tpu.dot_dimension_numbers<[1], [0], [0], [1], [0, 0, 1, 1], [], []>, transpose_lhs_hint = false} : vector<256x2xf32>, vector<2x128xf32>, vector<256x128xf32> -> vector<256x128xf32>
    %slice3A_286 = vector.extract_strided_slice %add3A_145 {offsets = [2048, 0], sizes = [256, 128], strides = [1, 1]} : vector<5120x128xf32> to vector<256x128xf32>
    %mul3A_287 = arith.mulf %dot_general3A_285, %slice3A_286 : vector<256x128xf32>
    %add3A_288 = arith.addf %add3A_281, %mul3A_287 : vector<256x128xf32>
    %slice3A_289 = vector.extract_strided_slice %div3A_225 {offsets = [9, 0, 0], sizes = [1, 256, 2], strides = [1, 1, 1]} : vector<20x256x2xf32> to vector<1x256x2xf32>
    %squeeze3A_290 = vector.shape_cast %slice3A_289 : vector<1x256x2xf32> to vector<256x2xf32>
    %dot_general3A_291 = arith.constant dense<0.000000e+00> : vector<256x128xf32>
    %dot_general3A_292 = tpu.matmul %squeeze3A_290, %select_n3A_213, %dot_general3A_291 {dimension_numbers = #tpu.dot_dimension_numbers<[1], [0], [0], [1], [0, 0, 1, 1], [], []>, transpose_lhs_hint = false} : vector<256x2xf32>, vector<2x128xf32>, vector<256x128xf32> -> vector<256x128xf32>
    %slice3A_293 = vector.extract_strided_slice %add3A_145 {offsets = [2304, 0], sizes = [256, 128], strides = [1, 1]} : vector<5120x128xf32> to vector<256x128xf32>
    %mul3A_294 = arith.mulf %dot_general3A_292, %slice3A_293 : vector<256x128xf32>
    %add3A_295 = arith.addf %add3A_288, %mul3A_294 : vector<256x128xf32>
    %slice3A_296 = vector.extract_strided_slice %div3A_225 {offsets = [10, 0, 0], sizes = [1, 256, 2], strides = [1, 1, 1]} : vector<20x256x2xf32> to vector<1x256x2xf32>
    %squeeze3A_297 = vector.shape_cast %slice3A_296 : vector<1x256x2xf32> to vector<256x2xf32>
    %dot_general3A_298 = arith.constant dense<0.000000e+00> : vector<256x128xf32>
    %dot_general3A_299 = tpu.matmul %squeeze3A_297, %select_n3A_213, %dot_general3A_298 {dimension_numbers = #tpu.dot_dimension_numbers<[1], [0], [0], [1], [0, 0, 1, 1], [], []>, transpose_lhs_hint = false} : vector<256x2xf32>, vector<2x128xf32>, vector<256x128xf32> -> vector<256x128xf32>
    %slice3A_300 = vector.extract_strided_slice %add3A_145 {offsets = [2560, 0], sizes = [256, 128], strides = [1, 1]} : vector<5120x128xf32> to vector<256x128xf32>
    %mul3A_301 = arith.mulf %dot_general3A_299, %slice3A_300 : vector<256x128xf32>
    %add3A_302 = arith.addf %add3A_295, %mul3A_301 : vector<256x128xf32>
    %slice3A_303 = vector.extract_strided_slice %div3A_225 {offsets = [11, 0, 0], sizes = [1, 256, 2], strides = [1, 1, 1]} : vector<20x256x2xf32> to vector<1x256x2xf32>
    %squeeze3A_304 = vector.shape_cast %slice3A_303 : vector<1x256x2xf32> to vector<256x2xf32>
    %dot_general3A_305 = arith.constant dense<0.000000e+00> : vector<256x128xf32>
    %dot_general3A_306 = tpu.matmul %squeeze3A_304, %select_n3A_213, %dot_general3A_305 {dimension_numbers = #tpu.dot_dimension_numbers<[1], [0], [0], [1], [0, 0, 1, 1], [], []>, transpose_lhs_hint = false} : vector<256x2xf32>, vector<2x128xf32>, vector<256x128xf32> -> vector<256x128xf32>
    %slice3A_307 = vector.extract_strided_slice %add3A_145 {offsets = [2816, 0], sizes = [256, 128], strides = [1, 1]} : vector<5120x128xf32> to vector<256x128xf32>
    %mul3A_308 = arith.mulf %dot_general3A_306, %slice3A_307 : vector<256x128xf32>
    %add3A_309 = arith.addf %add3A_302, %mul3A_308 : vector<256x128xf32>
    %slice3A_310 = vector.extract_strided_slice %div3A_225 {offsets = [12, 0, 0], sizes = [1, 256, 2], strides = [1, 1, 1]} : vector<20x256x2xf32> to vector<1x256x2xf32>
    %squeeze3A_311 = vector.shape_cast %slice3A_310 : vector<1x256x2xf32> to vector<256x2xf32>
    %dot_general3A_312 = arith.constant dense<0.000000e+00> : vector<256x128xf32>
    %dot_general3A_313 = tpu.matmul %squeeze3A_311, %select_n3A_213, %dot_general3A_312 {dimension_numbers = #tpu.dot_dimension_numbers<[1], [0], [0], [1], [0, 0, 1, 1], [], []>, transpose_lhs_hint = false} : vector<256x2xf32>, vector<2x128xf32>, vector<256x128xf32> -> vector<256x128xf32>
    %slice3A_314 = vector.extract_strided_slice %add3A_145 {offsets = [3072, 0], sizes = [256, 128], strides = [1, 1]} : vector<5120x128xf32> to vector<256x128xf32>
    %mul3A_315 = arith.mulf %dot_general3A_313, %slice3A_314 : vector<256x128xf32>
    %add3A_316 = arith.addf %add3A_309, %mul3A_315 : vector<256x128xf32>
    %slice3A_317 = vector.extract_strided_slice %div3A_225 {offsets = [13, 0, 0], sizes = [1, 256, 2], strides = [1, 1, 1]} : vector<20x256x2xf32> to vector<1x256x2xf32>
    %squeeze3A_318 = vector.shape_cast %slice3A_317 : vector<1x256x2xf32> to vector<256x2xf32>
    %dot_general3A_319 = arith.constant dense<0.000000e+00> : vector<256x128xf32>
    %dot_general3A_320 = tpu.matmul %squeeze3A_318, %select_n3A_213, %dot_general3A_319 {dimension_numbers = #tpu.dot_dimension_numbers<[1], [0], [0], [1], [0, 0, 1, 1], [], []>, transpose_lhs_hint = false} : vector<256x2xf32>, vector<2x128xf32>, vector<256x128xf32> -> vector<256x128xf32>
    %slice3A_321 = vector.extract_strided_slice %add3A_145 {offsets = [3328, 0], sizes = [256, 128], strides = [1, 1]} : vector<5120x128xf32> to vector<256x128xf32>
    %mul3A_322 = arith.mulf %dot_general3A_320, %slice3A_321 : vector<256x128xf32>
    %add3A_323 = arith.addf %add3A_316, %mul3A_322 : vector<256x128xf32>
    %slice3A_324 = vector.extract_strided_slice %div3A_225 {offsets = [14, 0, 0], sizes = [1, 256, 2], strides = [1, 1, 1]} : vector<20x256x2xf32> to vector<1x256x2xf32>
    %squeeze3A_325 = vector.shape_cast %slice3A_324 : vector<1x256x2xf32> to vector<256x2xf32>
    %dot_general3A_326 = arith.constant dense<0.000000e+00> : vector<256x128xf32>
    %dot_general3A_327 = tpu.matmul %squeeze3A_325, %select_n3A_213, %dot_general3A_326 {dimension_numbers = #tpu.dot_dimension_numbers<[1], [0], [0], [1], [0, 0, 1, 1], [], []>, transpose_lhs_hint = false} : vector<256x2xf32>, vector<2x128xf32>, vector<256x128xf32> -> vector<256x128xf32>
    %slice3A_328 = vector.extract_strided_slice %add3A_145 {offsets = [3584, 0], sizes = [256, 128], strides = [1, 1]} : vector<5120x128xf32> to vector<256x128xf32>
    %mul3A_329 = arith.mulf %dot_general3A_327, %slice3A_328 : vector<256x128xf32>
    %add3A_330 = arith.addf %add3A_323, %mul3A_329 : vector<256x128xf32>
    %slice3A_331 = vector.extract_strided_slice %div3A_225 {offsets = [15, 0, 0], sizes = [1, 256, 2], strides = [1, 1, 1]} : vector<20x256x2xf32> to vector<1x256x2xf32>
    %squeeze3A_332 = vector.shape_cast %slice3A_331 : vector<1x256x2xf32> to vector<256x2xf32>
    %dot_general3A_333 = arith.constant dense<0.000000e+00> : vector<256x128xf32>
    %dot_general3A_334 = tpu.matmul %squeeze3A_332, %select_n3A_213, %dot_general3A_333 {dimension_numbers = #tpu.dot_dimension_numbers<[1], [0], [0], [1], [0, 0, 1, 1], [], []>, transpose_lhs_hint = false} : vector<256x2xf32>, vector<2x128xf32>, vector<256x128xf32> -> vector<256x128xf32>
    %slice3A_335 = vector.extract_strided_slice %add3A_145 {offsets = [3840, 0], sizes = [256, 128], strides = [1, 1]} : vector<5120x128xf32> to vector<256x128xf32>
    %mul3A_336 = arith.mulf %dot_general3A_334, %slice3A_335 : vector<256x128xf32>
    %add3A_337 = arith.addf %add3A_330, %mul3A_336 : vector<256x128xf32>
    %slice3A_338 = vector.extract_strided_slice %div3A_225 {offsets = [16, 0, 0], sizes = [1, 256, 2], strides = [1, 1, 1]} : vector<20x256x2xf32> to vector<1x256x2xf32>
    %squeeze3A_339 = vector.shape_cast %slice3A_338 : vector<1x256x2xf32> to vector<256x2xf32>
    %dot_general3A_340 = arith.constant dense<0.000000e+00> : vector<256x128xf32>
    %dot_general3A_341 = tpu.matmul %squeeze3A_339, %select_n3A_213, %dot_general3A_340 {dimension_numbers = #tpu.dot_dimension_numbers<[1], [0], [0], [1], [0, 0, 1, 1], [], []>, transpose_lhs_hint = false} : vector<256x2xf32>, vector<2x128xf32>, vector<256x128xf32> -> vector<256x128xf32>
    %slice3A_342 = vector.extract_strided_slice %add3A_145 {offsets = [4096, 0], sizes = [256, 128], strides = [1, 1]} : vector<5120x128xf32> to vector<256x128xf32>
    %mul3A_343 = arith.mulf %dot_general3A_341, %slice3A_342 : vector<256x128xf32>
    %add3A_344 = arith.addf %add3A_337, %mul3A_343 : vector<256x128xf32>
    %slice3A_345 = vector.extract_strided_slice %div3A_225 {offsets = [17, 0, 0], sizes = [1, 256, 2], strides = [1, 1, 1]} : vector<20x256x2xf32> to vector<1x256x2xf32>
    %squeeze3A_346 = vector.shape_cast %slice3A_345 : vector<1x256x2xf32> to vector<256x2xf32>
    %dot_general3A_347 = arith.constant dense<0.000000e+00> : vector<256x128xf32>
    %dot_general3A_348 = tpu.matmul %squeeze3A_346, %select_n3A_213, %dot_general3A_347 {dimension_numbers = #tpu.dot_dimension_numbers<[1], [0], [0], [1], [0, 0, 1, 1], [], []>, transpose_lhs_hint = false} : vector<256x2xf32>, vector<2x128xf32>, vector<256x128xf32> -> vector<256x128xf32>
    %slice3A_349 = vector.extract_strided_slice %add3A_145 {offsets = [4352, 0], sizes = [256, 128], strides = [1, 1]} : vector<5120x128xf32> to vector<256x128xf32>
    %mul3A_350 = arith.mulf %dot_general3A_348, %slice3A_349 : vector<256x128xf32>
    %add3A_351 = arith.addf %add3A_344, %mul3A_350 : vector<256x128xf32>
    %slice3A_352 = vector.extract_strided_slice %div3A_225 {offsets = [18, 0, 0], sizes = [1, 256, 2], strides = [1, 1, 1]} : vector<20x256x2xf32> to vector<1x256x2xf32>
    %squeeze3A_353 = vector.shape_cast %slice3A_352 : vector<1x256x2xf32> to vector<256x2xf32>
    %dot_general3A_354 = arith.constant dense<0.000000e+00> : vector<256x128xf32>
    %dot_general3A_355 = tpu.matmul %squeeze3A_353, %select_n3A_213, %dot_general3A_354 {dimension_numbers = #tpu.dot_dimension_numbers<[1], [0], [0], [1], [0, 0, 1, 1], [], []>, transpose_lhs_hint = false} : vector<256x2xf32>, vector<2x128xf32>, vector<256x128xf32> -> vector<256x128xf32>
    %slice3A_356 = vector.extract_strided_slice %add3A_145 {offsets = [4608, 0], sizes = [256, 128], strides = [1, 1]} : vector<5120x128xf32> to vector<256x128xf32>
    %mul3A_357 = arith.mulf %dot_general3A_355, %slice3A_356 : vector<256x128xf32>
    %add3A_358 = arith.addf %add3A_351, %mul3A_357 : vector<256x128xf32>
    %slice3A_359 = vector.extract_strided_slice %div3A_225 {offsets = [19, 0, 0], sizes = [1, 256, 2], strides = [1, 1, 1]} : vector<20x256x2xf32> to vector<1x256x2xf32>
    %squeeze3A_360 = vector.shape_cast %slice3A_359 : vector<1x256x2xf32> to vector<256x2xf32>
    %dot_general3A_361 = arith.constant dense<0.000000e+00> : vector<256x128xf32>
    %dot_general3A_362 = tpu.matmul %squeeze3A_360, %select_n3A_213, %dot_general3A_361 {dimension_numbers = #tpu.dot_dimension_numbers<[1], [0], [0], [1], [0, 0, 1, 1], [], []>, transpose_lhs_hint = false} : vector<256x2xf32>, vector<2x128xf32>, vector<256x128xf32> -> vector<256x128xf32>
    %slice3A_363 = vector.extract_strided_slice %add3A_145 {offsets = [4864, 0], sizes = [256, 128], strides = [1, 1]} : vector<5120x128xf32> to vector<256x128xf32>
    %mul3A_364 = arith.mulf %dot_general3A_362, %slice3A_363 : vector<256x128xf32>
    %add3A_365 = arith.addf %add3A_358, %mul3A_364 : vector<256x128xf32>
    %get3A_366 = arith.constant 0 : index
    %get3A_367 = arith.constant 0 : index
    %get3A_368 = vector.load %arg13[%get3A_366, %get3A_367] : memref<128x128xf32, #tpu.memory_space<vmem>>, vector<128x128xf32>
    %dot_general3A_369 = arith.constant dense<0.000000e+00> : vector<256x128xf32>
    %dot_general3A_370 = tpu.matmul %add3A_365, %get3A_368, %dot_general3A_369 {dimension_numbers = #tpu.dot_dimension_numbers<[1], [0], [0], [1], [0, 0, 1, 1], [], []>, transpose_lhs_hint = false} : vector<256x128xf32>, vector<128x128xf32>, vector<256x128xf32> -> vector<256x128xf32>
    %get3A_371 = arith.constant 0 : index
    %get3A_372 = arith.constant 0 : index
    %get3A_373 = vector.load %arg14[%get3A_371, %get3A_372] : memref<128x128xf32, #tpu.memory_space<vmem>>, vector<128x128xf32>
    %dot_general3A_374 = arith.constant dense<0.000000e+00> : vector<256x128xf32>
    %dot_general3A_375 = tpu.matmul %get3A_1, %get3A_373, %dot_general3A_374 {dimension_numbers = #tpu.dot_dimension_numbers<[1], [0], [0], [1], [0, 0, 1, 1], [], []>, transpose_lhs_hint = false} : vector<256x128xf32>, vector<128x128xf32>, vector<256x128xf32> -> vector<256x128xf32>
    %add3A_376 = arith.addf %dot_general3A_370, %dot_general3A_375 : vector<256x128xf32>
    %get3A_377 = arith.constant 0 : index
    %get3A_378 = arith.constant 0 : index
    %get3A_379 = vector.load %arg15[%get3A_377, %get3A_378] : memref<1x128xf32, #tpu.memory_space<vmem>>, vector<1x128xf32>
    %add3A_380 = vector.broadcast %get3A_379 : vector<1x128xf32> to vector<256x128xf32>
    %add3A_381 = arith.addf %add3A_376, %add3A_380 : vector<256x128xf32>
    %max3A = arith.constant 0.000000e+00 : f32
    %max3A_382 = vector.broadcast %max3A : f32 to vector<256x128xf32>
    %max3A_383 = arith.maximumf %add3A_381, %max3A_382 : vector<256x128xf32>
    %get3A_384 = arith.constant 0 : index
    %get3A_385 = arith.constant 0 : index
    %get3A_386 = vector.load %arg16[%get3A_384, %get3A_385] : memref<128x128xf32, #tpu.memory_space<vmem>>, vector<128x128xf32>
    %dot_general3A_387 = arith.constant dense<0.000000e+00> : vector<256x128xf32>
    %dot_general3A_388 = tpu.matmul %max3A_383, %get3A_386, %dot_general3A_387 {dimension_numbers = #tpu.dot_dimension_numbers<[1], [0], [0], [1], [0, 0, 1, 1], [], []>, transpose_lhs_hint = false} : vector<256x128xf32>, vector<128x128xf32>, vector<256x128xf32> -> vector<256x128xf32>
    %get3A_389 = arith.constant 0 : index
    %get3A_390 = arith.constant 0 : index
    %get3A_391 = vector.load %arg17[%get3A_389, %get3A_390] : memref<1x128xf32, #tpu.memory_space<vmem>>, vector<1x128xf32>
    %add3A_392 = vector.broadcast %get3A_391 : vector<1x128xf32> to vector<256x128xf32>
    %add3A_393 = arith.addf %dot_general3A_388, %add3A_392 : vector<256x128xf32>
    %swap3A = arith.constant 0 : index
    %swap3A_394 = arith.constant 0 : index
    %swap3A_395 = vector.load %arg20[%swap3A, %swap3A_394] : memref<256x128xf32, #tpu.memory_space<vmem>>, vector<256x128xf32>
    tpu.vector_store %arg20[%swap3A, %swap3A_394], %add3A_393 {strides = array<i32>} : memref<256x128xf32, #tpu.memory_space<vmem>>, vector<256x128xf32>,
    return
  }
  func.func @transform_0(%arg0: i32) -> (i32, i32) {
    %c0_i32 = arith.constant 0 : i32
    %c0_i32_0 = arith.constant 0 : i32
    return %arg0, %c0_i32 : i32, i32
  }
  func.func @transform_1(%arg0: i32) -> (i32, i32, i32) {
    %c0_i32 = arith.constant 0 : i32
    %c0_i32_0 = arith.constant 0 : i32
    %c0_i32_1 = arith.constant 0 : i32
    return %c0_i32, %arg0, %c0_i32_0 : i32, i32, i32
  }
  func.func @transform_2(%arg0: i32) -> (i32, i32, i32) {
    %c0_i32 = arith.constant 0 : i32
    %c0_i32_0 = arith.constant 0 : i32
    %c0_i32_1 = arith.constant 0 : i32
    return %c0_i32, %arg0, %c0_i32_0 : i32, i32, i32
  }
  func.func @transform_3(%arg0: i32) -> (i32, i32, i32) {
    %c0_i32 = arith.constant 0 : i32
    %c0_i32_0 = arith.constant 0 : i32
    %c0_i32_1 = arith.constant 0 : i32
    return %c0_i32, %arg0, %c0_i32_0 : i32, i32, i32
  }
  func.func @transform_4(%arg0: i32) -> (i32, i32) {
    %c0_i32 = arith.constant 0 : i32
    %c0_i32_0 = arith.constant 0 : i32
    %c0_i32_1 = arith.constant 0 : i32
    return %c0_i32, %c0_i32_0 : i32, i32
  }
  func.func @transform_5(%arg0: i32) -> (i32, i32) {
    %c0_i32 = arith.constant 0 : i32
    %c0_i32_0 = arith.constant 0 : i32
    %c0_i32_1 = arith.constant 0 : i32
    return %c0_i32, %c0_i32_0 : i32, i32
  }
  func.func @transform_6(%arg0: i32) -> (i32, i32) {
    %c0_i32 = arith.constant 0 : i32
    %c0_i32_0 = arith.constant 0 : i32
    %c0_i32_1 = arith.constant 0 : i32
    return %c0_i32, %c0_i32_0 : i32, i32
  }
  func.func @transform_7(%arg0: i32) -> (i32, i32) {
    %c0_i32 = arith.constant 0 : i32
    %c0_i32_0 = arith.constant 0 : i32
    %c0_i32_1 = arith.constant 0 : i32
    return %c0_i32, %c0_i32_0 : i32, i32
  }
  func.func @transform_8(%arg0: i32) -> (i32, i32) {
    %c0_i32 = arith.constant 0 : i32
    %c0_i32_0 = arith.constant 0 : i32
    %c0_i32_1 = arith.constant 0 : i32
    return %c0_i32, %c0_i32_0 : i32, i32
  }
  func.func @transform_9(%arg0: i32) -> (i32, i32) {
    %c0_i32 = arith.constant 0 : i32
    %c0_i32_0 = arith.constant 0 : i32
    %c0_i32_1 = arith.constant 0 : i32
    return %c0_i32, %c0_i32_0 : i32, i32
  }
  func.func @transform_10(%arg0: i32) -> (i32, i32) {
    %c0_i32 = arith.constant 0 : i32
    %c0_i32_0 = arith.constant 0 : i32
    %c0_i32_1 = arith.constant 0 : i32
    return %c0_i32, %c0_i32_0 : i32, i32
  }
  func.func @transform_11(%arg0: i32) -> (i32, i32) {
    %c0_i32 = arith.constant 0 : i32
    %c0_i32_0 = arith.constant 0 : i32
    %c0_i32_1 = arith.constant 0 : i32
    return %c0_i32, %c0_i32_0 : i32, i32
  }
  func.func @transform_12(%arg0: i32) -> (i32, i32) {
    %c0_i32 = arith.constant 0 : i32
    %c0_i32_0 = arith.constant 0 : i32
    %c0_i32_1 = arith.constant 0 : i32
    return %c0_i32, %c0_i32_0 : i32, i32
  }
  func.func @transform_13(%arg0: i32) -> (i32, i32) {
    %c0_i32 = arith.constant 0 : i32
    %c0_i32_0 = arith.constant 0 : i32
    %c0_i32_1 = arith.constant 0 : i32
    return %c0_i32, %c0_i32_0 : i32, i32
  }
  func.func @transform_14(%arg0: i32) -> (i32, i32) {
    %c0_i32 = arith.constant 0 : i32
    %c0_i32_0 = arith.constant 0 : i32
    %c0_i32_1 = arith.constant 0 : i32
    return %c0_i32, %c0_i32_0 : i32, i32
  }
  func.func @transform_15(%arg0: i32) -> (i32, i32) {
    %c0_i32 = arith.constant 0 : i32
    %c0_i32_0 = arith.constant 0 : i32
    %c0_i32_1 = arith.constant 0 : i32
    return %c0_i32, %c0_i32_0 : i32, i32
  }
  func.func @transform_16(%arg0: i32) -> (i32, i32) {
    %c0_i32 = arith.constant 0 : i32
    %c0_i32_0 = arith.constant 0 : i32
    %c0_i32_1 = arith.constant 0 : i32
    return %c0_i32, %c0_i32_0 : i32, i32
  }
  func.func @transform_17(%arg0: i32) -> (i32, i32) {
    %c0_i32 = arith.constant 0 : i32
    %c0_i32_0 = arith.constant 0 : i32
    %c0_i32_1 = arith.constant 0 : i32
    return %c0_i32, %c0_i32_0 : i32, i32
  }
  func.func @transform_18(%arg0: i32) -> (i32, i32) {
    %c0_i32 = arith.constant 0 : i32
    %c0_i32_0 = arith.constant 0 : i32
    %c0_i32_1 = arith.constant 0 : i32
    return %c0_i32, %c0_i32_0 : i32, i32
  }
  func.func @transform_19(%arg0: i32) -> (i32, i32) {
    %c0_i32 = arith.constant 0 : i32
    %c0_i32_0 = arith.constant 0 : i32
    return %arg0, %c0_i32 : i32, i32
  }
}

</mosaic_0001>

<sc_bundles>
// kernel: kernel.5.cloned.1.call-start
scs
__scs_entry_jumppad:
0x0: {  	(pc) =	sbr.rel $0x88, $3  }
0x1: {  	(tag) =	ssettag $0x0;
	lr =	simm.s32 $0x1  }
0x2: {  	[smem:$0x3F8F] =	sst lr;
	_ =	strace $0xD0000000  }
0x3: {  	_ = 	snop  }
0x4: {  	_ = 	snop  }
0x5: {  	_ = 	snop  }
0x6: {  	_ = 	snop  }
0x7: {  	_ = 	snop  }
__scs_overlays_trampoline_lowered:
0x8: {  	[smem:$0x3F9E] =	sst s0  }
0x9: {  	[smem:$0x3F9F] =	sst s1  }
0xa: {  	[smem:$0x3FA0] =	sst s2  }
0xb: {  	[smem:$0x3FA1] =	sst s3  }
0xc: {  	[smem:$0x3FA2] =	sst s4  }
0xd: {  	[smem:$0x3FA3] =	sst s5  }
0xe: {  	[smem:$0x3FA4] =	sst s6  }
0xf: {  	[smem:$0x3FA5] =	sst s7  }
0x10: {  	[smem:$0x3FA6] =	sst s8  }
0x11: {  	[smem:$0x3FA7] =	sst s9;
	s0 =	simm.s32 @!p0 $0x0  }
0x12: {  	s1 =	sld [smem:$0x3F8D];
	s0 =	simm.s32 @p0 $0x1  }
0x13: {  	[smem:$0x3FA8] =	sst s0;
	s0 =	simm.s32 @!p1 $0x0  }
0x14: {  	s2 =	sld [smem:$0x3F8C];
	s0 =	simm.s32 @p1 $0x1  }
0x15: {  	[smem:$0x3FA9] =	sst s0;
	s0 =	simm.s32 @!p2 $0x0  }
0x16: {  	s3 =	sld [smem:$0x3FDB];
	s0 =	simm.s32 @p2 $0x1  }
0x17: {  	s4 =	simm.s32 $0x1BF5;
	[smem:$0x3FAB] =	sst s0  }
0x18: {  	s0 =	sld [smem:$0x3F8E];
	_ =	swait.ge [sflag:s4], $0x0  }
0x19: {  	s7 =	sld [smem:$0x3F8F]  }
0x1a: {  	s8 =	sadd.s32 $0xFFFFE003, lr  }
0x1b: {  	s9 =	sadd.s32 $0xFFFFFEF7, lr;
	s5 =	simm.s32 $0xFFFFFFFF;
	p2 =	slt.u32 s8, $0xFFFFF086  }
0x1c: {  	p1 =	slt.u32 s9, $0xF7A;
	s5 =	simm.s32 @!p2 $0x0  }
0x1d: {  	s5 =	simm.s32 @p1 $0x1;
	p0 =	seq.s32 s7, s2  }
0x1e: {  	s7 =	smul.u32 @!p0 $0xF7A, s2;
	p2 =	seq.s32 @!p0 s5, $0x0  }
0x1f: {  	s9 =	smul.u32 $0xF7A, s1;
	s8 =	simm.s32 @!p0 $0x1BF5;
	p2 =	por !p2, p0  }
0x20: {  	[sflag:s8] =	ssyncset.s32 @!p0 $0xFFFFF086;
	s6 =	sadd.s32 @!p0 s3, s7;
	s7 =	simm.s32 @!p0 $0x108  }
0x21: {  	s3 =	sadd.s32 s3, s9;
	s6 =	sadd.s32 @!p0 $0x88, s6;
	s7 =	simm.s32 @p2 $0x1082  }
0x22: {  	[simem:s7], [sflag:s8] =	dma.local @!p0 [hbm:s6], $0xF7A  }
0x23: {  	s9 =	sor.u32 $0xD0000000, s2;
	s6 =	simm.s32 $0x108;
	_ =	swait.ge @!p0 [sflag:s8], $0x0  }
0x24: {  	s3 =	sadd.s32 $0x88, s3;
	s6 =	simm.s32 @!p1 $0x1082;
	[sflag:s4] =	ssyncset.s32 $0xFFFFF086  }
0x25: {  	[simem:s6], [sflag:s4] =	dma.local [hbm:s3], $0xF7A  }
0x26: {  	[smem:$0x3F8F] =	sst s1;
	(tag) =	ssettag s2;
	_ =	strace s9  }
0x27: {  	s1 =	sld [smem:$0x3F9F]  }
0x28: {  	s2 =	sld [smem:$0x3FA0]  }
0x29: {  	s4 =	sld [smem:$0x3FA2]  }
0x2a: {  	p0 =	seq.s32 s5, $0x0;
	s5 =	sld [smem:$0x3FA3]  }
0x2b: {  	s6 =	sld [smem:$0x3FA4]  }
0x2c: {  	s7 =	sld [smem:$0x3FA5]  }
0x2d: {  	s3 =	simm.s32 $0x108;
	s8 =	sld [smem:$0x3FA6]  }
0x2e: {  	s3 =	simm.s32 @!p0 $0x1082;
	s9 =	sld [smem:$0x3FA7]  }
0x2f: {  	lr =	sadd.s32 s0, s3;
	s0 =	sld [smem:$0x3F9E]  }
0x30: {  	s3 =	sld [smem:$0x3FA1]  }
0x31: {  	[smem:$0x3FAA] =	sst s10  }
0x32: {  	s10 =	sld [smem:$0x3FA8];
	_ =	sdelay $0x3  }
0x33: {  	p0 =	seq.s32 s10, $0x1;
	s10 =	sld [smem:$0x3FAA];
	_ =	sdelay $0x3  }
0x34: {  	[smem:$0x3FAA] =	sst s10  }
0x35: {  	s10 =	sld [smem:$0x3FA9];
	_ =	sdelay $0x3  }
0x36: {  	p1 =	seq.s32 s10, $0x1;
	s10 =	sld [smem:$0x3FAA];
	_ =	sdelay $0x3  }
0x37: {  	[smem:$0x3FAA] =	sst s10  }
0x38: {  	s10 =	sld [smem:$0x3FAB]  }
0x39: {  	_ = 	snop;
	(pc) =	sbr.ind lr, $3  }
0x3a: {  	_ = 	snop  }
0x3b: {  	_ = 	snop  }
0x3c: {  	p2 =	seq.s32 s10, $0x1;
	s10 =	sld [smem:$0x3FAA]  }
0x3d: {  	_ =	shalt  }
0x3e: {  	_ =	shalt  }
0x3f: {  	_ =	shalt  }
0x40: {  	_ =	shalt  }
0x41: {  	_ =	shalt  }
0x42: {  	_ =	shalt  }
0x43: {  	_ =	shalt  }
0x44: {  	_ =	shalt  }
0x45: {  	_ =	shalt  }
0x46: {  	_ =	shalt  }
0x47: {  	_ =	shalt  }
0x48: {  	_ =	shalt  }
0x49: {  	_ =	shalt  }
0x4a: {  	_ =	shalt  }
0x4b: {  	_ =	shalt  }
0x4c: {  	_ =	shalt  }
0x4d: {  	_ =	shalt  }
0x4e: {  	_ =	shalt  }
0x4f: {  	_ =	shalt  }
0x50: {  	_ =	shalt  }
0x51: {  	_ =	shalt  }
0x52: {  	_ =	shalt  }
0x53: {  	_ =	shalt  }
0x54: {  	_ =	shalt  }
0x55: {  	_ =	shalt  }
0x56: {  	_ =	shalt  }
0x57: {  	_ =	shalt  }
0x58: {  	_ =	shalt  }
0x59: {  	_ =	shalt  }
0x5a: {  	_ =	shalt  }
0x5b: {  	_ =	shalt  }
0x5c: {  	_ =	shalt  }
0x5d: {  	_ =	shalt  }
0x5e: {  	_ =	shalt  }
0x5f: {  	_ =	shalt  }
0x60: {  	_ =	shalt  }
0x61: {  	_ =	shalt  }
0x62: {  	_ =	shalt  }
0x63: {  	_ =	shalt  }
0x64: {  	_ =	shalt  }
0x65: {  	_ =	shalt  }
0x66: {  	_ =	shalt  }
0x67: {  	_ =	shalt  }
0x68: {  	_ =	shalt  }
0x69: {  	_ =	shalt  }
0x6a: {  	_ =	shalt  }
0x6b: {  	_ =	shalt  }
0x6c: {  	_ =	shalt  }
0x6d: {  	_ =	shalt  }
0x6e: {  	_ =	shalt  }
0x6f: {  	_ =	shalt  }
0x70: {  	_ =	shalt  }
0x71: {  	_ =	shalt  }
0x72: {  	_ =	shalt  }
0x73: {  	_ =	shalt  }
0x74: {  	_ =	shalt  }
0x75: {  	_ =	shalt  }
0x76: {  	_ =	shalt  }
0x77: {  	_ =	shalt  }
0x78: {  	_ =	shalt  }
0x79: {  	_ =	shalt  }
0x7a: {  	_ =	shalt  }
0x7b: {  	_ =	shalt  }
0x7c: {  	_ =	shalt  }
0x7d: {  	_ =	shalt  }
0x7e: {  	_ =	shalt  }
0x7f: {  	_ =	shalt  }
0x80: {  	_ =	shalt  }
0x81: {  	_ =	shalt  }
0x82: {  	_ =	shalt  }
0x83: {  	_ =	shalt  }
0x84: {  	_ =	shalt  }
0x85: {  	_ =	shalt  }
0x86: {  	_ =	shalt  }
0x87: {  	_ =	shalt  }
.Lfunc_end0:
.L_simem_size_0:
called_computation_lowered:
.L_overlay_start_0:
0x88: {  	s2 =	sld [smem:$0x3FD9]  }
0x89: {  	s3 =	sld [smem:$0x3FFE];
	_ =	sdelay $0x1  }
0x8a: {  	s1 =	srdreg.scid  }
0x8b: {  	s0 =	sand.u32 $0x1, s1  }
0x8c: {  	s14 =	sshll.u32 s0, $0xA;
	s2 =	sadd.s32 s3, s2  }
0x8d: {  	s2 =	sadd.s32 s2, s14  }
0x8e: {  	[smem:$0x3FB6] =	sst s2  }
0x8f: {  	_ = 	snop  }
0x90: {  	s2 =	sld [smem:$0x3FD0];
	_ =	sdelay $0x2  }
0x91: {  	s15 =	simm.s32 $0xB;
	s4 =	simm.s32 $0x10  }
0x92: {  	[smem:s4], [sflag:s15] =	dma.local [hbm:s2], $0x1  }
0x93: {  	_ =	swait.eq [sflag:s15], $0x1  }
0x94: {  	[sflag:s15] =	ssyncset.done $0x0  }
0x95: {  	[sflag:s15] =	ssyncadd.s32 $0xFFFFFFFF  }
0x96: {  	s16 =	sld [smem:$0x11];
	(tm) =	ssettm $0x1  }
0x97: {  	s17 =	sld [smem:$0x3FFB];
	_ =	sdelay $0x3  }
0x98: {  	_ =	strace s17  }
0x99: {  	s3 =	sld [smem:$0x3FFC];
	_ =	sdelay $0x3  }
0x9a: {  	_ =	strace s3  }
0x9b: {  	s3 =	sld [smem:$0x3FFD];
	_ =	sdelay $0x3  }
0x9c: {  	_ =	strace s3  }
0x9d: {  	_ =	strace $0x8FFFFFFF  }
0x9e: {  	s18 =	sld [smem:$0x3FDB];
	_ =	sdelay $0x1  }
0x9f: {  	s19 =	simm.s32 $_scs_section_size  }
0xa0: {  	s5 =	simm.s32 $_size__tile_overlayer_lowered;
	s6 =	simm.s32 $_tile_overlayer_lowered  }
0xa1: {  	s22 =	simm.s32 $0x1BFF;
	s21 =	sshll.u32 s6, $0x1;
	s3 =	sadd.s32 s19, s18  }
0xa2: {  	s7 =	simm.s32 $0x0;
	s20 =	sshll.u32 s5, $0x1;
	s5 =	sadd.s32 s21, s3  }
0xa3: {  	[timem:s7], [sflag:s22] =	dma.local [hbm:s5], s20  }
0xa4: {  	_ =	swait.ge [sflag:s22], s20  }
0xa5: {  	s4 =	ssub.s32 $0x0, s20;
	[sflag:s22] =	ssyncset.done $0x0  }
0xa6: {  	[sflag:s22] =	ssyncadd.s32 s4;
	_ =	sdelay $0x1  }
0xa7: {  	s23 =	simm.s32 $0x1B8B  }
0xa8: {  	_ =	swait.ge [sflag:s23], $0x1  }
0xa9: {  	[sflag:s23] =	ssyncset.done $0x0  }
0xaa: {  	s25 =	simm.s32 $0x1B8E;
	s24 =	sld [smem:$0x3FFE];
	[sflag:s23] =	ssyncadd.s32 $0xFFFFFFFF  }
0xab: {  	s26 =	simm.s32 $execute0_lowered;
	[smem:$0x3FD2] =	sst s25  }
0xac: {  	s5 =	sshll.u32 s26, $0x1;
	_ =	strace $0x80000046;
	[dreg:$0x1] =	wrdreg $0xFFFFFFFF  }
0xad: {  	s28 =	simm.s32 $_size_execute0_lowered;
	s3 =	sadd.s32 s3, s5;
	[dreg:$0x0] =	wrdreg $0x0  }
0xae: {  	s5 =	sshll.u32 s28, $0x1;
	[dreg:$0x2] =	wrdreg s3  }
0xaf: {  	[dreg:$0x3] =	wrdreg s5  }
0xb0: {  	[dreg:$0x4] =	wrdreg $0xC0  }
0xb1: {  	_ =	task [dreg:s7], $0x5FFFF  }
0xb2: {  	[dreg:$0x1] =	wrdreg $0xFFFFFFFF  }
0xb3: {  	[dreg:$0x0] =	wrdreg $0x60  }
0xb4: {  	[dreg:$0x2] =	wrdreg s24  }
0xb5: {  	[dreg:$0x3] =	wrdreg s16  }
0xb6: {  	[dreg:$0x4] =	wrdreg $0x9  }
0xb7: {  	_ =	task.clear_ibuf [dreg:s7], $0x5FFFF;
	_ =	strace $0x90000046  }
0xb8: {  	s29 =	simm.s32 $0x9;
	_ =	strace $0x80000048  }
0xb9: {  	_ =	swait.ge [sflag:s29], $0x1  }
0xba: {  	[sflag:s29] =	ssyncadd.s32 $0xFFFFFFFF  }
0xbb: {  	_ =	strace $0x90000048  }
0xbc: {  	_ =	sfence  }
0xbd: {  	s30 =	sld [smem:$0x0];
	_ =	sdelay $0x2  }
0xbe: {  	s31 =	sshll.u32 s1, $0xD;
	s1 =	sshrl.u32 s1, $0x2  }
0xbf: {  	s3 =	sand.u32 $0x4000, s31;
	s1 =	sadd.s32 s1, s30  }
0xc0: {  	s0 =	sor.u32 s3, s0;
	s1 =	sshll.u32 s1, $0x11  }
0xc1: {  	s0 =	sor.u32 s1, s0  }
0xc2: {  	s0 =	sadd.s32 $0x8F2B, s0  }
0xc3: {  	[sflag:s0] =	ssyncadd.remote.s32 $0x1  }
0xc4: {  	_ =	sfence.sel $0xFFFF  }
0xc5: {  	[dreg:$0x0] =	wrdreg $0xFFFFFFFF;
	(pc) =	sbr.abs _section_cstart, $3  }
0xc6: {  	[dreg:$0x1] =	wrdreg $0xFFFFFFFF  }
0xc7: {  	_ =	task.clear_ibuf [dreg:s7], $0x2FFFF;
	_ =	strace $0x9FFFFFFF  }
0xc8: {  	(tm) =	ssettm $0x7FFFFFFF  }
0xc9: {  	_ =	shalt  }
tec
execute0_lowered:
.L_overlay_start_1:
0x0: {  	(tag) =	ssettag $0x1  }
0x1: {  	s4 =	rddreg [dreg:$0x0]  }
0x2: {  	s7 =	rddreg [dreg:$0x1]  }
0x3: {  	s0 =	rddreg [dreg:$0x2];
	s2 =	simm.s32 $0x0  }
0x4: {  	s3 =	srdreg.scid;
	s1 =	stileid.u32;
	s12 =	simm.s32 $0x1  }
0x5: {  	s13 =	simm.s32 $0x2;
	s14 =	simm.s32 $0x0;
	[smem:$0x7FF] =	sst s2  }
0x6: {  	s5 =	sand.u32 $0x1, s3;
	s6 =	smul.u32 $0x300, s1;
	s3 =	sadd.s32 $0x186D400, s4  }
0x7: {  	s4 =	sadd.s32 $0x3400, s4;
	s10 =	sshll.u32 s1, $0x1;
	s8 =	smul.u32 $0x180, s5  }
.Ltmp0:
0x8: {  	_ =	strace $0x80000047;
	s9 =	ssub.s32 $0x2, s5;
	(pc) =	sbr.rel .LBB2_1-.Ltmp0, $4  }
0x9: {  	s5 =	sor.u32 s5, s10;
	s10 =	simm.s32 $0x1E00;
	s11 =	sshrl.u32 s9, $0x1  }
0xa: {  	s5 =	smul.u32 $0x1800, s5;
	s6 =	sadd.s32 s8, s6;
	s30 =	ssub.s32 s9, s11  }
0xb: {  	s8 =	simm.s32 $0x3;
	s9 =	simm.s32 $0x80;
	s31 =	sshrl.u32 s6, $0x3  }
0xc: {  	s11 =	simm.s32 $0x2600;
	s6 =	smax.u32 s30, $0x1;
	s7 =	sadd.s32 s31, s7  }
.LBB2_6:
0xd: {  	s14 =	sadd.s32 $0x1, s14  }
0xe: {  	p0 =	sne.s32 s14, s6  }
.Ltmp1:
0xf: {  	_ = 	snop;
	(pc) =	sbr.rel @!p0 .LBB2_7-.Ltmp1, $1  }
0x10: {  	_ =	sdelay $0x3  }
.LBB2_1:
0x11: {  	s15 =	simm.s32 $0x0;
	s16 =	sadd.s32 $0x0, s7  }
0x12: {  	[tilespmem:s15], [sflag:$0x3] =	stream.linear.gather [hbm4b:s16+s2], $0x180, $0x38;
	[tilespmem:$0x2E00] =	vst v63  }
0x13: {  	_ =	swait.ge [sflag:s8], $0x180  }
0x14: {  	s15 =	simm.s32 $0x600;
	[sflag:s8] =	ssyncset.done $0x0  }
.LBB2_2:
0x15: {  	s16 =	sshra.s32 s15, $0x2  }
0x16: {  	s17 =	sadd.s32 s15, s7;
	[sflag:s8] =	ssyncadd.s32 $0xFFFFFE80;
	p0 =	sne.s32 s15, $0x7200  }
0x17: {  	[tilespmem:s16], [sflag:$0x3] =	stream.linear.gather [hbm4b:s17+s2], $0x180, $0x38;
	[tilespmem:$0x2E00] =	vst v63  }
.Ltmp2:
0x18: {  	_ = 	snop;
	(pc) =	sbr.rel @p0 .LBB2_2-.Ltmp2, $4  }
0x19: {  	_ = 	snop  }
0x1a: {  	s15 =	sadd.s32 $0x600, s15  }
0x1b: {  	_ =	swait.ge [sflag:s8], $0x180  }
0x1c: {  	[sflag:s8] =	ssyncset.done $0x0  }
0x1d: {  	[sflag:s8] =	ssyncadd.s32 $0xFFFFFE80;
	s15 =	simm.s32 $0x0  }
0x1e: {  	[tilespmem:s10], [sflag:$0x1] =	stream.indirect.gather [hbm4b:s3+s9], $0x10, s15, s9, $0xb8;
	[tilespmem:$0x2E00] =	vst v63  }
0x1f: {  	s16 =	simm.s32 $0x180  }
0x20: {  	[tilespmem:s11], [sflag:$0x2] =	stream.indirect.gather [hbm4b:s3+s9], $0x10, s9, s9, $0xb8;
	[tilespmem:$0x2E00] =	vst v63  }
.LBB2_4:
0x21: {  	s17 =	sshll.u32 s15, $0x1  }
0x22: {  	s18 =	sand.u32 $0xFE, s17  }
0x23: {  	s18 =	smul.u32 $0xAB, s18;
	_ =	sdelay $0x1  }
0x24: {  	s18 =	sshrl.u32 s18, $0x9  }
0x25: {  	s19 =	smul.u32 $0x3, s18;
	_ =	sdelay $0x1  }
0x26: {  	s19 =	ssub.s32 s17, s19  }
0x27: {  	s19 =	sand.u32 $0xFF, s19  }
0x28: {  	s18 =	smul.u32 $0x30000, s18;
	s19 =	sshll.u32 s19, $0xB  }
0x29: {  	s19 =	sadd.s32 s5, s19  }
0x2a: {  	_ =	swait.ge [sflag:s12], $0x800;
	s18 =	sadd.s32 s18, s19  }
0x2b: {  	[sflag:s12] =	ssyncset.done $0x0;
	s17 =	sor.u32 $0x1, s17;
	s18 =	sshrl.u32 s18, $0x3  }
0x2c: {  	[sflag:s12] =	ssyncadd.s32 $0xFFFFF800;
	s31 =	sand.u32 $0xFF, s17;
	s18 =	sadd.s32 s4, s18  }
0x2d: {  	[hbm4b:s18+s2] =	stream.linear.scatter [tilespmem:s10], [sflag:$0x3], $0x800, $0x38;
	[tilespmem:$0x2E00] =	vst v63  }
0x2e: {  	p0 =	seq.s32 s15, $0x1D;
	s18 =	smul.u32 $0xAB, s31  }
0x2f: {  	s20 =	simm.s32 @!p0 $0x80;
	_ =	swait.ge [sflag:s8], $0x800  }
0x30: {  	s21 =	simm.s32 @!p0 $0x1E00;
	[sflag:s8] =	ssyncset.done $0x0;
	s18 =	sshrl.u32 s18, $0x9  }
0x31: {  	s19 =	sadd.s32 @!p0 $0xFFFFFF80, s16;
	[sflag:s8] =	ssyncadd.s32 $0xFFFFF800;
	s22 =	smul.u32 $0x3, s18  }
0x32: {  	[tilespmem:s21], [sflag:$0x1] =	stream.indirect.gather @!p0 [hbm4b:s3+s20], $0x10, s19, s20, $0xb8;
	[tilespmem:$0x2E00] =	vst v63  }
0x33: {  	s17 =	ssub.s32 s17, s22  }
0x34: {  	s17 =	sand.u32 $0xFF, s17  }
0x35: {  	s18 =	smul.u32 $0x30000, s18;
	s17 =	sshll.u32 s17, $0xB  }
0x36: {  	s17 =	sadd.s32 s5, s17  }
0x37: {  	_ =	swait.ge [sflag:s13], $0x800;
	s17 =	sadd.s32 s18, s17  }
0x38: {  	[sflag:s13] =	ssyncset.done $0x0;
	s17 =	sshrl.u32 s17, $0x3  }
.Ltmp3:
0x39: {  	[sflag:s13] =	ssyncadd.s32 $0xFFFFF800;
	s17 =	sadd.s32 s4, s17;
	(pc) =	sbr.rel @p0 .LBB2_6-.Ltmp3, $4  }
0x3a: {  	[hbm4b:s17+s2] =	stream.linear.scatter [tilespmem:s11], [sflag:$0x3], $0x800, $0x38;
	[tilespmem:$0x2E00] =	vst v63  }
0x3b: {  	_ =	swait.ge [sflag:s8], $0x800  }
0x3c: {  	[sflag:s8] =	ssyncset.done $0x0  }
0x3d: {  	[sflag:s8] =	ssyncadd.s32 $0xFFFFF800  }
.Ltmp4:
0x3e: {  	(pc) =	sbr.rel .LBB2_4-.Ltmp4, $3  }
0x3f: {  	_ =	sdelay $0x1  }
0x40: {  	[tilespmem:s11], [sflag:$0x2] =	stream.indirect.gather [hbm4b:s3+s9], $0x10, s16, s9, $0xb8;
	[tilespmem:$0x2E00] =	vst v63  }
0x41: {  	s15 =	sadd.s32 $0x1, s15;
	s16 =	sadd.s32 $0x100, s16  }
.LBB2_7:
0x42: {  	_ =	sfence.sel $0x180000  }
0x43: {  	[bflag:$0x0] =	sbarrier.arrive $0xFFFF  }
0x44: {  	p0 =	sne.s32 s1, $0x0;
	_ =	strace $0x90000047  }
0x45: {  	s0 =	sadd.s32 @!p0 $0x100000, s0;
	[bflag:$0x2] =	sbarrier.arrive $0xFFFF  }
0x46: {  	[sflag:s0] =	ssyncadd.tile.s32 @!p0 $0x1;
	_ =	shalt  }
.Lfunc_end2:
_tile_overlayer_lowered:
.L_overlay_start_2:
0x47: {  	(tag) =	ssettag $0x2  }
0x48: {  	s0 =	rddreg [dreg:$0x0];
	s2 =	stileid.u32  }
0x49: {  	s1 =	rddreg [dreg:$0x1];
	p0 =	sne.s32 s2, $0x0  }
0x4a: {  	s3 =	rddreg [dreg:$0x2];
	[bflag:$0x3] =	sbarrier.arrive $0xFFFF;
	s2 =	simm.s32 @!p0 $0x1C03  }
0x4b: {  	[timem:s3], [sflag:s2] =	dma.local @!p0 [hbm:s0], s1  }
0x4c: {  	s0 =	simm.s32 @!p0 $0x3  }
0x4d: {  	_ =	swait.ge @!p0 [sflag:s0], s1  }
0x4e: {  	s1 =	ssub.s32 @!p0 $0x0, s1;
	[sflag:s0] =	ssyncset.done @!p0 $0x0  }
0x4f: {  	[sflag:s0] =	ssyncadd.s32 @!p0 s1  }
0x50: {  	[bflag:$0x3] =	sbarrier.arrive $0xFFFF  }
0x51: {  	_ =	shalt  }

// kernel: kernel.8.cloned.1.call-start
scs
__scs_entry_jumppad:
0x0: {  	(pc) =	sbr.rel $0x88, $3  }
0x1: {  	(tag) =	ssettag $0x0;
	lr =	simm.s32 $0x1  }
0x2: {  	[smem:$0x3F8F] =	sst lr;
	_ =	strace $0xD0000000  }
0x3: {  	_ = 	snop  }
0x4: {  	_ = 	snop  }
0x5: {  	_ = 	snop  }
0x6: {  	_ = 	snop  }
0x7: {  	_ = 	snop  }
__scs_overlays_trampoline_lowered:
0x8: {  	[smem:$0x3F9E] =	sst s0  }
0x9: {  	[smem:$0x3F9F] =	sst s1  }
0xa: {  	[smem:$0x3FA0] =	sst s2  }
0xb: {  	[smem:$0x3FA1] =	sst s3  }
0xc: {  	[smem:$0x3FA2] =	sst s4  }
0xd: {  	[smem:$0x3FA3] =	sst s5  }
0xe: {  	[smem:$0x3FA4] =	sst s6  }
0xf: {  	[smem:$0x3FA5] =	sst s7  }
0x10: {  	[smem:$0x3FA6] =	sst s8  }
0x11: {  	[smem:$0x3FA7] =	sst s9;
	s0 =	simm.s32 @!p0 $0x0  }
0x12: {  	s1 =	sld [smem:$0x3F8D];
	s0 =	simm.s32 @p0 $0x1  }
0x13: {  	[smem:$0x3FA8] =	sst s0;
	s0 =	simm.s32 @!p1 $0x0  }
0x14: {  	s2 =	sld [smem:$0x3F8C];
	s0 =	simm.s32 @p1 $0x1  }
0x15: {  	[smem:$0x3FA9] =	sst s0;
	s0 =	simm.s32 @!p2 $0x0  }
0x16: {  	s3 =	sld [smem:$0x3FDB];
	s0 =	simm.s32 @p2 $0x1  }
0x17: {  	s4 =	simm.s32 $0x1BF5;
	[smem:$0x3FAB] =	sst s0  }
0x18: {  	s0 =	sld [smem:$0x3F8E];
	_ =	swait.ge [sflag:s4], $0x0  }
0x19: {  	s7 =	sld [smem:$0x3F8F]  }
0x1a: {  	s8 =	sadd.s32 $0xFFFFE003, lr  }
0x1b: {  	s9 =	sadd.s32 $0xFFFFFEF7, lr;
	s5 =	simm.s32 $0xFFFFFFFF;
	p2 =	slt.u32 s8, $0xFFFFF086  }
0x1c: {  	p1 =	slt.u32 s9, $0xF7A;
	s5 =	simm.s32 @!p2 $0x0  }
0x1d: {  	s5 =	simm.s32 @p1 $0x1;
	p0 =	seq.s32 s7, s2  }
0x1e: {  	s7 =	smul.u32 @!p0 $0xF7A, s2;
	p2 =	seq.s32 @!p0 s5, $0x0  }
0x1f: {  	s9 =	smul.u32 $0xF7A, s1;
	s8 =	simm.s32 @!p0 $0x1BF5;
	p2 =	por !p2, p0  }
0x20: {  	[sflag:s8] =	ssyncset.s32 @!p0 $0xFFFFF086;
	s6 =	sadd.s32 @!p0 s3, s7;
	s7 =	simm.s32 @!p0 $0x108  }
0x21: {  	s3 =	sadd.s32 s3, s9;
	s6 =	sadd.s32 @!p0 $0x88, s6;
	s7 =	simm.s32 @p2 $0x1082  }
0x22: {  	[simem:s7], [sflag:s8] =	dma.local @!p0 [hbm:s6], $0xF7A  }
0x23: {  	s9 =	sor.u32 $0xD0000000, s2;
	s6 =	simm.s32 $0x108;
	_ =	swait.ge @!p0 [sflag:s8], $0x0  }
0x24: {  	s3 =	sadd.s32 $0x88, s3;
	s6 =	simm.s32 @!p1 $0x1082;
	[sflag:s4] =	ssyncset.s32 $0xFFFFF086  }
0x25: {  	[simem:s6], [sflag:s4] =	dma.local [hbm:s3], $0xF7A  }
0x26: {  	[smem:$0x3F8F] =	sst s1;
	(tag) =	ssettag s2;
	_ =	strace s9  }
0x27: {  	s1 =	sld [smem:$0x3F9F]  }
0x28: {  	s2 =	sld [smem:$0x3FA0]  }
0x29: {  	s4 =	sld [smem:$0x3FA2]  }
0x2a: {  	p0 =	seq.s32 s5, $0x0;
	s5 =	sld [smem:$0x3FA3]  }
0x2b: {  	s6 =	sld [smem:$0x3FA4]  }
0x2c: {  	s7 =	sld [smem:$0x3FA5]  }
0x2d: {  	s3 =	simm.s32 $0x108;
	s8 =	sld [smem:$0x3FA6]  }
0x2e: {  	s3 =	simm.s32 @!p0 $0x1082;
	s9 =	sld [smem:$0x3FA7]  }
0x2f: {  	lr =	sadd.s32 s0, s3;
	s0 =	sld [smem:$0x3F9E]  }
0x30: {  	s3 =	sld [smem:$0x3FA1]  }
0x31: {  	[smem:$0x3FAA] =	sst s10  }
0x32: {  	s10 =	sld [smem:$0x3FA8];
	_ =	sdelay $0x3  }
0x33: {  	p0 =	seq.s32 s10, $0x1;
	s10 =	sld [smem:$0x3FAA];
	_ =	sdelay $0x3  }
0x34: {  	[smem:$0x3FAA] =	sst s10  }
0x35: {  	s10 =	sld [smem:$0x3FA9];
	_ =	sdelay $0x3  }
0x36: {  	p1 =	seq.s32 s10, $0x1;
	s10 =	sld [smem:$0x3FAA];
	_ =	sdelay $0x3  }
0x37: {  	[smem:$0x3FAA] =	sst s10  }
0x38: {  	s10 =	sld [smem:$0x3FAB]  }
0x39: {  	_ = 	snop;
	(pc) =	sbr.ind lr, $3  }
0x3a: {  	_ = 	snop  }
0x3b: {  	_ = 	snop  }
0x3c: {  	p2 =	seq.s32 s10, $0x1;
	s10 =	sld [smem:$0x3FAA]  }
0x3d: {  	_ =	shalt  }
0x3e: {  	_ =	shalt  }
0x3f: {  	_ =	shalt  }
0x40: {  	_ =	shalt  }
0x41: {  	_ =	shalt  }
0x42: {  	_ =	shalt  }
0x43: {  	_ =	shalt  }
0x44: {  	_ =	shalt  }
0x45: {  	_ =	shalt  }
0x46: {  	_ =	shalt  }
0x47: {  	_ =	shalt  }
0x48: {  	_ =	shalt  }
0x49: {  	_ =	shalt  }
0x4a: {  	_ =	shalt  }
0x4b: {  	_ =	shalt  }
0x4c: {  	_ =	shalt  }
0x4d: {  	_ =	shalt  }
0x4e: {  	_ =	shalt  }
0x4f: {  	_ =	shalt  }
0x50: {  	_ =	shalt  }
0x51: {  	_ =	shalt  }
0x52: {  	_ =	shalt  }
0x53: {  	_ =	shalt  }
0x54: {  	_ =	shalt  }
0x55: {  	_ =	shalt  }
0x56: {  	_ =	shalt  }
0x57: {  	_ =	shalt  }
0x58: {  	_ =	shalt  }
0x59: {  	_ =	shalt  }
0x5a: {  	_ =	shalt  }
0x5b: {  	_ =	shalt  }
0x5c: {  	_ =	shalt  }
0x5d: {  	_ =	shalt  }
0x5e: {  	_ =	shalt  }
0x5f: {  	_ =	shalt  }
0x60: {  	_ =	shalt  }
0x61: {  	_ =	shalt  }
0x62: {  	_ =	shalt  }
0x63: {  	_ =	shalt  }
0x64: {  	_ =	shalt  }
0x65: {  	_ =	shalt  }
0x66: {  	_ =	shalt  }
0x67: {  	_ =	shalt  }
0x68: {  	_ =	shalt  }
0x69: {  	_ =	shalt  }
0x6a: {  	_ =	shalt  }
0x6b: {  	_ =	shalt  }
0x6c: {  	_ =	shalt  }
0x6d: {  	_ =	shalt  }
0x6e: {  	_ =	shalt  }
0x6f: {  	_ =	shalt  }
0x70: {  	_ =	shalt  }
0x71: {  	_ =	shalt  }
0x72: {  	_ =	shalt  }
0x73: {  	_ =	shalt  }
0x74: {  	_ =	shalt  }
0x75: {  	_ =	shalt  }
0x76: {  	_ =	shalt  }
0x77: {  	_ =	shalt  }
0x78: {  	_ =	shalt  }
0x79: {  	_ =	shalt  }
0x7a: {  	_ =	shalt  }
0x7b: {  	_ =	shalt  }
0x7c: {  	_ =	shalt  }
0x7d: {  	_ =	shalt  }
0x7e: {  	_ =	shalt  }
0x7f: {  	_ =	shalt  }
0x80: {  	_ =	shalt  }
0x81: {  	_ =	shalt  }
0x82: {  	_ =	shalt  }
0x83: {  	_ =	shalt  }
0x84: {  	_ =	shalt  }
0x85: {  	_ =	shalt  }
0x86: {  	_ =	shalt  }
0x87: {  	_ =	shalt  }
.Lfunc_end0:
.L_simem_size_0:
called_computation.1_lowered:
.L_overlay_start_0:
0x88: {  	s2 =	sld [smem:$0x3FD9]  }
0x89: {  	s3 =	sld [smem:$0x3FFE];
	_ =	sdelay $0x1  }
0x8a: {  	s1 =	srdreg.scid  }
0x8b: {  	s0 =	sand.u32 $0x1, s1  }
0x8c: {  	s15 =	sshll.u32 s0, $0xA;
	s2 =	sadd.s32 s3, s2  }
0x8d: {  	s2 =	sadd.s32 s2, s15  }
0x8e: {  	[smem:$0x3FB6] =	sst s2  }
0x8f: {  	_ = 	snop  }
0x90: {  	s16 =	sld [smem:$0x3FD0];
	_ =	sdelay $0x2  }
0x91: {  	s5 =	simm.s32 $0xB;
	s4 =	simm.s32 $0x10;
	s2 =	sld [smem:$0x3FC2]  }
0x92: {  	[smem:s4], [sflag:s5] =	dma.local [hbm:s16], $0x1  }
0x93: {  	_ =	swait.eq [sflag:s5], $0x1  }
0x94: {  	[sflag:s5] =	ssyncset.done $0x0  }
0x95: {  	s17 =	sld [smem:$0x10];
	[sflag:s5] =	ssyncadd.s32 $0xFFFFFFFF  }
0x96: {  	s18 =	sld [smem:$0x12];
	(tm) =	ssettm $0x1  }
0x97: {  	s19 =	sld [smem:$0x3FFB];
	_ =	sdelay $0x3  }
0x98: {  	_ =	strace s19  }
0x99: {  	s3 =	sld [smem:$0x3FFC];
	_ =	sdelay $0x3  }
0x9a: {  	_ =	strace s3  }
0x9b: {  	s3 =	sld [smem:$0x3FFD];
	_ =	sdelay $0x3  }
0x9c: {  	_ =	strace s3  }
0x9d: {  	_ =	strace $0x8FFFFFFF  }
0x9e: {  	s20 =	sld [smem:$0x3FDB];
	_ =	sdelay $0x1  }
0x9f: {  	s6 =	simm.s32 $_scs_section_size  }
0xa0: {  	s7 =	simm.s32 $_size__tile_overlayer_lowered;
	s8 =	simm.s32 $_tile_overlayer_lowered  }
0xa1: {  	s9 =	simm.s32 $0x1BFF;
	s21 =	sshll.u32 s8, $0x1;
	s6 =	sadd.s32 s6, s20  }
0xa2: {  	s22 =	simm.s32 $0x0;
	s7 =	sshll.u32 s7, $0x1;
	s8 =	sadd.s32 s21, s6  }
0xa3: {  	[timem:s22], [sflag:s9] =	dma.local [hbm:s8], s7  }
0xa4: {  	_ =	swait.ge [sflag:s9], s7  }
0xa5: {  	s7 =	ssub.s32 $0x0, s7;
	[sflag:s9] =	ssyncset.done $0x0  }
0xa6: {  	[sflag:s9] =	ssyncadd.s32 s7;
	_ =	sdelay $0x1  }
0xa7: {  	s23 =	simm.s32 $0x1B8B  }
0xa8: {  	_ =	swait.ge [sflag:s23], $0x1  }
0xa9: {  	[sflag:s23] =	ssyncset.done $0x0  }
0xaa: {  	[sflag:s23] =	ssyncadd.s32 $0xFFFFFFFF  }
0xab: {  	s7 =	sld [smem:$0x0]  }
0xac: {  	s8 =	sand.u32 $0xFFFFFFFE, s1  }
0xad: {  	p0 =	sne.s32 s1, s8  }
0xae: {  	s8 =	sshll.u32 @p0 s8, $0xE  }
0xaf: {  	s8 =	sadd.s32 @p0 $0x11B8D, s8;
	s9 =	sshll.u32 @p0 s7, $0x11  }
0xb0: {  	s8 =	sor.u32 @p0 s9, s8  }
0xb1: {  	[sflag:s8] =	ssyncadd.remote.s32 @p0 $0x1;
	_ =	sdelay $0x1  }
0xb2: {  	s8 =	simm.s32 @p0 $0x1B8D  }
0xb3: {  	_ =	swait.eq @p0 [sflag:s8], $0x1  }
0xb4: {  	[sflag:s8] =	ssyncadd.s32 @p0 $0xFFFFFFFF  }
0xb5: {  	s9 =	sshll.u32 @!p0 s1, $0xE  }
0xb6: {  	s9 =	sor.u32 @!p0 $0x4000, s9;
	s8 =	simm.s32 @!p0 $0x1B8D  }
0xb7: {  	s7 =	sshll.u32 @!p0 s7, $0x11;
	s9 =	sadd.s32 @!p0 $0x11B8D, s9;
	_ =	swait.eq @!p0 [sflag:s8], $0x1  }
0xb8: {  	s7 =	sor.u32 @!p0 s7, s9;
	[sflag:s8] =	ssyncadd.s32 @!p0 $0xFFFFFFFF  }
0xb9: {  	s25 =	simm.s32 $0x1B8E;
	s24 =	sld [smem:$0x3FFE];
	[sflag:s7] =	ssyncadd.remote.s32 @!p0 $0x1  }
0xba: {  	s26 =	simm.s32 $execute0_lowered;
	[smem:$0x3FD2] =	sst s25  }
0xbb: {  	s8 =	sshll.u32 s26, $0x1;
	_ =	strace $0x80000049;
	[dreg:$0x1] =	wrdreg $0xFFFFFFFF  }
0xbc: {  	s28 =	simm.s32 $_size_execute0_lowered;
	s6 =	sadd.s32 s6, s8;
	[dreg:$0x0] =	wrdreg $0x0  }
0xbd: {  	s8 =	sshll.u32 s28, $0x1;
	[dreg:$0x2] =	wrdreg s6  }
0xbe: {  	[dreg:$0x3] =	wrdreg s8  }
0xbf: {  	[dreg:$0x4] =	wrdreg $0xC0  }
0xc0: {  	_ =	task [dreg:s22], $0x5FFFF  }
0xc1: {  	[dreg:$0x1] =	wrdreg $0xFFFFFFFF  }
0xc2: {  	[dreg:$0x0] =	wrdreg $0x60  }
0xc3: {  	[dreg:$0x2] =	wrdreg s2  }
0xc4: {  	[dreg:$0x3] =	wrdreg s18  }
0xc5: {  	[dreg:$0x4] =	wrdreg s17  }
0xc6: {  	[dreg:$0x5] =	wrdreg s24  }
0xc7: {  	[dreg:$0x6] =	wrdreg $0xA  }
0xc8: {  	_ =	task.clear_ibuf [dreg:s22], $0x7FFFF;
	_ =	strace $0x90000049  }
0xc9: {  	s29 =	simm.s32 $0xA;
	_ =	strace $0x8000004B  }
0xca: {  	_ =	swait.ge [sflag:s29], $0x1  }
0xcb: {  	[sflag:s29] =	ssyncadd.s32 $0xFFFFFFFF  }
0xcc: {  	_ =	strace $0x9000004B  }
0xcd: {  	_ =	sfence  }
0xce: {  	s30 =	sld [smem:$0x0];
	_ =	sdelay $0x2  }
0xcf: {  	s31 =	sshll.u32 s1, $0xD;
	s1 =	sshrl.u32 s1, $0x2  }
0xd0: {  	s4 =	sand.u32 $0x4000, s31;
	s1 =	sadd.s32 s1, s30  }
0xd1: {  	s0 =	sor.u32 s4, s0;
	s1 =	sshll.u32 s1, $0x11  }
0xd2: {  	s0 =	sor.u32 s1, s0  }
0xd3: {  	s0 =	sadd.s32 $0x8F2B, s0  }
0xd4: {  	[sflag:s0] =	ssyncadd.remote.s32 $0x1  }
0xd5: {  	_ =	sfence.sel $0xFFFF  }
0xd6: {  	[dreg:$0x0] =	wrdreg $0xFFFFFFFF;
	(pc) =	sbr.abs _section_cstart, $3  }
0xd7: {  	[dreg:$0x1] =	wrdreg $0xFFFFFFFF  }
0xd8: {  	_ =	task.clear_ibuf [dreg:s22], $0x2FFFF;
	_ =	strace $0x9FFFFFFF  }
0xd9: {  	(tm) =	ssettm $0x7FFFFFFF  }
tec
execute0_lowered:
.L_overlay_start_1:
0x0: {  	(tag) =	ssettag $0x1  }
0x1: {  	s1 =	rddreg [dreg:$0x0]  }
0x2: {  	s6 =	rddreg [dreg:$0x1]  }
0x3: {  	s2 =	srdreg.scid;
	s11 =	rddreg [dreg:$0x2]  }
0x4: {  	s0 =	stileid.u32;
	s5 =	rddreg [dreg:$0x3]  }
0x5: {  	s3 =	simm.s32 $0x0;
	s16 =	simm.s32 $0x100;
	s17 =	simm.s32 $0x180  }
0x6: {  	s18 =	simm.s32 $0x200;
	s19 =	simm.s32 $0x5F80;
	s20 =	simm.s32 $0x2  }
0x7: {  	s21 =	simm.s32 $0x0;
	s7 =	sand.u32 $0x1, s2;
	s2 =	rddreg [dreg:$0x4]  }
0x8: {  	s28 =	sshll.u32 s0, $0x1;
	[smem:$0x7FF] =	sst s3;
	s13 =	smul.u32 $0x300, s0  }
0x9: {  	s10 =	sadd.s32 $0x7B400, s5;
	s4 =	sor.u32 s7, s28;
	s15 =	smul.u32 $0x180, s7  }
0xa: {  	s5 =	sadd.s32 $0xAB400, s5;
	s12 =	ssub.s32 $0x2, s7;
	s8 =	smul.u32 $0x180, s4  }
0xb: {  	_ =	strace $0x8000004A;
	s9 =	smul.u32 $0x1800, s4;
	s14 =	sshrl.u32 s12, $0x1  }
0xc: {  	s4 =	smul.u32 $0xC000, s4;
	s12 =	ssub.s32 s12, s14;
	s31 =	sadd.s32 s15, s13  }
.Ltmp0:
0xd: {  	s14 =	simm.s32 $0x1F80;
	s15 =	simm.s32 $0x1;
	(pc) =	sbr.rel .LBB2_1-.Ltmp0, $4  }
0xe: {  	s8 =	sshrl.u32 s8, $0x3;
	s29 =	sshrl.u32 s4, $0x3;
	s7 =	sadd.s32 s10, s9  }
0xf: {  	s13 =	sshrl.u32 s31, $0x3;
	s6 =	sadd.s32 s6, s8;
	s30 =	sadd.s32 s10, s29  }
0x10: {  	s10 =	smax.u32 s12, $0x1;
	s11 =	sadd.s32 s13, s11;
	s12 =	simm.s32 $0x3  }
0x11: {  	s13 =	simm.s32 $0x80;
	s8 =	sadd.s32 $0x800, s30;
	s9 =	sadd.s32 $0x1000, s30  }
.LBB2_6:
0x12: {  	s21 =	sadd.s32 $0x1, s21  }
0x13: {  	p0 =	sne.s32 s21, s10  }
.Ltmp1:
0x14: {  	_ = 	snop;
	(pc) =	sbr.rel @!p0 .LBB2_7-.Ltmp1, $1  }
0x15: {  	_ =	sdelay $0x3  }
.LBB2_1:
0x16: {  	[tilespmem:s3], [sflag:$0x3] =	stream.linear.gather [hbm4b:s6+s3], $0x180, $0x38;
	[tilespmem:$0x9F80] =	vst v63  }
0x17: {  	_ =	swait.ge [sflag:s12], $0x180  }
0x18: {  	[sflag:s12] =	ssyncset.done $0x0  }
0x19: {  	s22 =	simm.s32 $0x180;
	s23 =	sadd.s32 $0x0, s11;
	[sflag:s12] =	ssyncadd.s32 $0xFFFFFE80  }
0x1a: {  	[tilespmem:s22], [sflag:$0x3] =	stream.linear.gather [hbm4b:s23+s3], $0x180, $0x38;
	[tilespmem:$0x9F80] =	vst v63  }
0x1b: {  	s22 =	simm.s32 $0x600;
	_ =	swait.ge [sflag:s12], $0x180  }
.LBB2_2:
0x1c: {  	s23 =	sshra.s32 s22, $0x2  }
0x1d: {  	[sflag:s12] =	ssyncset.done $0x0;
	s24 =	sadd.s32 s22, s11;
	p0 =	sne.s32 s22, $0x7200  }
.Ltmp2:
0x1e: {  	s23 =	sadd.s32 $0x180, s23;
	[sflag:s12] =	ssyncadd.s32 $0xFFFFFE80;
	(pc) =	sbr.rel @p0 .LBB2_2-.Ltmp2, $3  }
0x1f: {  	[tilespmem:s23], [sflag:$0x3] =	stream.linear.gather [hbm4b:s24+s3], $0x180, $0x38;
	[tilespmem:$0x9F80] =	vst v63  }
0x20: {  	s22 =	sadd.s32 $0x600, s22;
	_ =	sdelay $0x1  }
0x21: {  	_ =	swait.ge [sflag:s12], $0x180  }
0x22: {  	[sflag:s12] =	ssyncset.done $0x0  }
0x23: {  	s22 =	simm.s32 $0x0;
	[sflag:s12] =	ssyncadd.s32 $0xFFFFFE80  }
0x24: {  	[tilespmem:s14], [sflag:$0x1] =	stream.indirect.gather [hbm4b:s1+s13], $0x80, s22, s13, $0xb8;
	[tilespmem:$0x9F80] =	vst v63  }
0x25: {  	_ =	swait.ge [sflag:s15], $0x4000  }
0x26: {  	[sflag:s15] =	ssyncset.done $0x0  }
0x27: {  	[sflag:s15] =	ssyncadd.s32 $0xFFFFC000  }
0x28: {  	[hbm4b:s7+s22] =	stream.linear.scatter [tilespmem:s14], [sflag:$0x3], $0x4000, $0x38;
	[tilespmem:$0x9F80] =	vst v63  }
0x29: {  	_ =	swait.ge [sflag:s12], $0x4000  }
0x2a: {  	[sflag:s12] =	ssyncset.done $0x0  }
0x2b: {  	[sflag:s12] =	ssyncadd.s32 $0xFFFFC000  }
0x2c: {  	[tilespmem:s14], [sflag:$0x1] =	stream.indirect.gather [hbm4b:s1+s13], $0x80, s13, s13, $0xb8;
	[tilespmem:$0x9F80] =	vst v63  }
0x2d: {  	_ =	swait.ge [sflag:s15], $0x4000  }
0x2e: {  	[sflag:s15] =	ssyncset.done $0x0  }
0x2f: {  	[sflag:s15] =	ssyncadd.s32 $0xFFFFC000  }
0x30: {  	[hbm4b:s8+s22] =	stream.linear.scatter [tilespmem:s14], [sflag:$0x3], $0x4000, $0x38;
	[tilespmem:$0x9F80] =	vst v63  }
0x31: {  	_ =	swait.ge [sflag:s12], $0x4000  }
0x32: {  	[sflag:s12] =	ssyncset.done $0x0  }
0x33: {  	[sflag:s12] =	ssyncadd.s32 $0xFFFFC000  }
0x34: {  	[tilespmem:s14], [sflag:$0x1] =	stream.indirect.gather [hbm4b:s1+s13], $0x80, s16, s13, $0xb8;
	[tilespmem:$0x9F80] =	vst v63  }
0x35: {  	_ =	swait.ge [sflag:s15], $0x4000  }
0x36: {  	[sflag:s15] =	ssyncset.done $0x0  }
0x37: {  	[sflag:s15] =	ssyncadd.s32 $0xFFFFC000  }
0x38: {  	[hbm4b:s9+s22] =	stream.linear.scatter [tilespmem:s14], [sflag:$0x3], $0x4000, $0x38;
	[tilespmem:$0x9F80] =	vst v63  }
0x39: {  	_ =	swait.ge [sflag:s12], $0x4000  }
0x3a: {  	[sflag:s12] =	ssyncset.done $0x0  }
0x3b: {  	[sflag:s12] =	ssyncadd.s32 $0xFFFFC000  }
0x3c: {  	[tilespmem:s14], [sflag:$0x1] =	stream.indirect.gather [hbm4b:s1+s13], $0x80, s17, s13, $0xb8;
	[tilespmem:$0x9F80] =	vst v63  }
0x3d: {  	s23 =	simm.s32 $0x300  }
0x3e: {  	[tilespmem:s19], [sflag:$0x2] =	stream.indirect.gather [hbm4b:s1+s13], $0x80, s18, s13, $0xb8;
	[tilespmem:$0x9F80] =	vst v63  }
.LBB2_4:
0x3f: {  	s24 =	sshll.u32 s22, $0x1  }
0x40: {  	s25 =	sand.u32 $0xFE, s24  }
0x41: {  	s25 =	smul.u32 $0xAB, s25;
	_ =	sdelay $0x1  }
0x42: {  	s25 =	sshrl.u32 s25, $0x9  }
0x43: {  	s26 =	smul.u32 $0x3, s25;
	_ =	sdelay $0x1  }
0x44: {  	s26 =	ssub.s32 s24, s26  }
0x45: {  	s26 =	sand.u32 $0xFF, s26  }
0x46: {  	s25 =	smul.u32 $0x180000, s25;
	s26 =	sshll.u32 s26, $0xE  }
0x47: {  	s26 =	sadd.s32 s4, s26  }
0x48: {  	_ =	swait.ge [sflag:s15], $0x4000;
	s25 =	sadd.s32 s25, s26  }
0x49: {  	[sflag:s15] =	ssyncset.done $0x0;
	s24 =	sor.u32 $0x1, s24;
	s25 =	sshrl.u32 s25, $0x3  }
0x4a: {  	[sflag:s15] =	ssyncadd.s32 $0xFFFFC000;
	s31 =	sand.u32 $0xFF, s24;
	s25 =	sadd.s32 s5, s25  }
0x4b: {  	[hbm4b:s25+s3] =	stream.linear.scatter [tilespmem:s14], [sflag:$0x3], $0x4000, $0x38;
	[tilespmem:$0x9F80] =	vst v63  }
0x4c: {  	p0 =	seq.s32 s22, $0x1D;
	s25 =	smul.u32 $0xAB, s31  }
0x4d: {  	s28 =	simm.s32 @!p0 $0x80;
	_ =	swait.ge [sflag:s12], $0x4000  }
0x4e: {  	s29 =	simm.s32 @!p0 $0x1F80;
	[sflag:s12] =	ssyncset.done $0x0;
	s25 =	sshrl.u32 s25, $0x9  }
0x4f: {  	s26 =	sadd.s32 @!p0 $0xFFFFFF80, s23;
	[sflag:s12] =	ssyncadd.s32 $0xFFFFC000;
	s30 =	smul.u32 $0x3, s25  }
0x50: {  	[tilespmem:s29], [sflag:$0x1] =	stream.indirect.gather @!p0 [hbm4b:s1+s28], $0x80, s26, s28, $0xb8;
	[tilespmem:$0x9F80] =	vst v63  }
0x51: {  	s24 =	ssub.s32 s24, s30  }
0x52: {  	s24 =	sand.u32 $0xFF, s24  }
0x53: {  	s25 =	smul.u32 $0x180000, s25;
	s24 =	sshll.u32 s24, $0xE  }
0x54: {  	s24 =	sadd.s32 s4, s24  }
0x55: {  	_ =	swait.ge [sflag:s20], $0x4000;
	s24 =	sadd.s32 s25, s24  }
0x56: {  	[sflag:s20] =	ssyncset.done $0x0;
	s24 =	sshrl.u32 s24, $0x3  }
.Ltmp3:
0x57: {  	[sflag:s20] =	ssyncadd.s32 $0xFFFFC000;
	s24 =	sadd.s32 s5, s24;
	(pc) =	sbr.rel @p0 .LBB2_6-.Ltmp3, $4  }
0x58: {  	[hbm4b:s24+s3] =	stream.linear.scatter [tilespmem:s19], [sflag:$0x3], $0x4000, $0x38;
	[tilespmem:$0x9F80] =	vst v63  }
0x59: {  	_ =	swait.ge [sflag:s12], $0x4000  }
0x5a: {  	[sflag:s12] =	ssyncset.done $0x0  }
0x5b: {  	[sflag:s12] =	ssyncadd.s32 $0xFFFFC000  }
.Ltmp4:
0x5c: {  	(pc) =	sbr.rel .LBB2_4-.Ltmp4, $3  }
0x5d: {  	_ =	sdelay $0x1  }
0x5e: {  	[tilespmem:s19], [sflag:$0x2] =	stream.indirect.gather [hbm4b:s1+s13], $0x80, s23, s13, $0xb8;
	[tilespmem:$0x9F80] =	vst v63  }
0x5f: {  	s22 =	sadd.s32 $0x1, s22;
	s23 =	sadd.s32 $0x100, s23  }
.LBB2_7:
0x60: {  	_ =	sfence.sel $0x180000  }
0x61: {  	[bflag:$0x0] =	sbarrier.arrive $0xFFFF  }
0x62: {  	p0 =	sne.s32 s0, $0x0;
	_ =	strace $0x9000004A  }
0x63: {  	s0 =	sadd.s32 @!p0 $0x100000, s2;
	[bflag:$0x2] =	sbarrier.arrive $0xFFFF  }
0x64: {  	[sflag:s0] =	ssyncadd.tile.s32 @!p0 $0x1;
	_ =	shalt  }
.Lfunc_end2:
_tile_overlayer_lowered:
.L_overlay_start_2:
0x65: {  	(tag) =	ssettag $0x2  }
0x66: {  	s0 =	rddreg [dreg:$0x0];
	s2 =	stileid.u32  }
0x67: {  	s1 =	rddreg [dreg:$0x1];
	p0 =	sne.s32 s2, $0x0  }
0x68: {  	s3 =	rddreg [dreg:$0x2];
	[bflag:$0x3] =	sbarrier.arrive $0xFFFF;
	s2 =	simm.s32 @!p0 $0x1C03  }
0x69: {  	[timem:s3], [sflag:s2] =	dma.local @!p0 [hbm:s0], s1  }
0x6a: {  	s0 =	simm.s32 @!p0 $0x3  }
0x6b: {  	_ =	swait.ge @!p0 [sflag:s0], s1  }
0x6c: {  	s1 =	ssub.s32 @!p0 $0x0, s1;
	[sflag:s0] =	ssyncset.done @!p0 $0x0  }
0x6d: {  	[sflag:s0] =	ssyncadd.s32 @!p0 s1  }
0x6e: {  	[bflag:$0x3] =	sbarrier.arrive $0xFFFF  }
0x6f: {  	_ =	shalt  }

</sc_bundles>
